<compile_context>
chip_gen: v7x
topology: tpu7x:2x2x1
jax: 0.10.2.dev20260603
libtpu: 0.0.44.dev20260713+nightly
codegen_flags: <defaults>
</compile_context>

<pallas_src>
import functools

import jax
import jax.numpy as jnp
from jax import lax
from jax.experimental import pallas as pl
from jax.experimental.pallas import tpu as pltpu
from jax.experimental.pallas import tpu_sc as plsc

NUM_NODES = 1000000
H_DIM = 16
BATCH = 16384

NC = 2
NS = 16
NW = NC * NS
B_PER_W = BATCH // NW
K = 16
N_CHUNKS = B_PER_W // K

_mesh = plsc.VectorSubcoreMesh(core_axis_name="c", subcore_axis_name="s")


@functools.partial(
    pl.kernel,
    mesh=_mesh,
    out_type=jax.ShapeDtypeStruct((H_DIM, BATCH), jnp.float32),
    scratch_types=[
        pltpu.VMEM((B_PER_W,), jnp.int32),
        pltpu.VMEM((3, H_DIM, K * 128), jnp.float32),
        pltpu.VMEM((H_DIM, B_PER_W), jnp.float32),
        pltpu.SemaphoreType.DMA,
    ],
    compiler_params=pltpu.CompilerParams(needs_layout_passes=False),
)
def _gather_kernel(tab_hbm, idx_hbm, out_hbm, idx_v, blocks_v, rows_v, sem):
    wid = lax.axis_index("s") * NC + lax.axis_index("c")
    base = wid * B_PER_W
    pltpu.sync_copy(idx_hbm.at[pl.ds(base, B_PER_W)], idx_v)

    lane_iota = lax.iota(jnp.int32, 16)

    def fire(g, slot):
        ivec = idx_v[pl.ds(g * K, K)]
        for k in range(K):
            i = ivec[k]
            c128 = pl.multiple_of((i >> 7) << 7, 128)
            pltpu.async_copy(
                tab_hbm.at[:, pl.ds(c128, 128)],
                blocks_v.at[slot, :, pl.ds(k * 128, 128)],
                sem,
            )

    def drain_and_extract(g, slot):
        pltpu.make_async_copy(
            tab_hbm.at[:, pl.ds(0, K * 128)],
            blocks_v.at[slot],
            sem,
        ).wait()
        ivec = idx_v[pl.ds(g * K, K)]
        cols = lane_iota * 128 + lax.rem(ivec, 128)
        ones = jnp.full((16,), 1, jnp.int32)
        for j in range(H_DIM):
            vals = plsc.load_gather(blocks_v.at[slot], [ones * j, cols])
            rows_v[j, pl.ds(g * K, K)] = vals

    def body(g, carry):
        @pl.when(g < N_CHUNKS)
        def _():
            fire(g, lax.rem(g, 3))

        drain_and_extract(g - 2, lax.rem(g + 1, 3))
        return carry

    fire(0, 0)
    fire(1, 1)
    lax.fori_loop(2, N_CHUNKS + 2, body, 0)

    pltpu.sync_copy(rows_v, out_hbm.at[:, pl.ds(base, B_PER_W)])


def kernel(g, h, r, norm, table):
    tab_t = jnp.transpose(table)
    idx = h.astype(jnp.int32)
    out_t = _gather_kernel(tab_t, idx)
    return jnp.transpose(out_t)

# --- scband reference (transcript-rebuilt; emitter-appended) ---
"""Pipeline reference for scband-embedding-layer-5574867550771 (READ-ONLY COPY).

The authoritative reference and input builder live on the scoring server;
editing this copy changes nothing except your own understanding.
"""

import jax, jax.numpy as jnp
import numpy as np

NUM_NODES = 1000000
H_DIM = 16
BATCH = 16384

def setup_inputs(seed: int = 0) -> dict:
    key = jax.random.key(seed)
    k1, k2, k3, k4 = jax.random.split(key, 4)
    g = jnp.zeros((1,), dtype=jnp.float32)  # unused graph placeholder
    h = jax.random.randint(k1, (BATCH,), 0, NUM_NODES, dtype=jnp.int64)
    r = jax.random.randint(k2, (BATCH,), 0, 100, dtype=jnp.int64)
    norm = jax.random.uniform(k3, (BATCH, 1), dtype=jnp.float32)
    # nn.Embedding weight init: N(0, 1)
    table = jax.random.normal(k4, (NUM_NODES, H_DIM), dtype=jnp.float32)
    return {"g": g, "h": h, "r": r, "norm": norm, "table": table}

def reference(g, h, r, norm, table):
    # forward: self.embedding(h.squeeze())
    idx = jnp.squeeze(h)
    return jnp.take(table, idx, axis=0)

if __name__ == "__main__":
    import jax
    _d = setup_inputs()
    print(jax.jit(kernel)(*tuple(_d.values())))

</pallas_src>

<mosaic_0001>
#map = affine_map<(d0, d1) -> (0, 0)>
#map1 = affine_map<(d0, d1) -> (0)>
module attributes {stable_mosaic.version = 14 : i64} {
  func.func @_gather_kernel(%arg0: i32, %arg1: i32, %arg2: memref<16x1000000xf32, #tpu.memory_space<hbm>>, %arg3: memref<16384xi32, #tpu.memory_space<hbm>>, %arg4: memref<16x16384xf32, #tpu.memory_space<hbm>>, %arg5: memref<512xi32, #tpu.memory_space<vmem>>, %arg6: memref<3x16x2048xf32, #tpu.memory_space<vmem>>, %arg7: memref<16x512xf32, #tpu.memory_space<vmem>>, %arg8: memref<!tpu.dma_semaphore, #tpu.memory_space<semaphore_mem>>) attributes {dimension_semantics = [#tpu.dimension_semantics<core_parallel>, #tpu.dimension_semantics<subcore_parallel>], iteration_bounds = array<i64: 2, 16>, scalar_prefetch = 0 : i64, scratch_operands = 4 : i64, tpu.core_type = #tpu.core_type<sc_vector_subcore>, window_params = [{transform_indices = #map}, {transform_indices = #map1}, {transform_indices = #map}]} {
    %mul3A = arith.constant 2 : i32
    %mul3A_0 = arith.muli %arg1, %mul3A : i32
    %add3A = arith.addi %mul3A_0, %arg0 : i32
    %mul3A_1 = arith.constant 512 : i32
    %mul3A_2 = arith.muli %add3A, %mul3A_1 : i32
    "tpu.region"() ({
      %run_scoped3A = tpu.sem_alloc : memref<!tpu.dma_semaphore, #tpu.memory_space<semaphore_mem>>
      %dma_start3A_645 = tpu.memref_slice %arg3[%mul3A_2] : memref<16384xi32, #tpu.memory_space<hbm>> -> memref<512xi32, #tpu.memory_space<hbm>>
      %dma_start3A_646 = tpu.memref_slice %arg3[%mul3A_2] : memref<16384xi32, #tpu.memory_space<hbm>> -> memref<512xi32, #tpu.memory_space<hbm>>
      tpu.enqueue_dma source(%dma_start3A_646 : memref<512xi32, #tpu.memory_space<hbm>>) target(%arg5 : memref<512xi32, #tpu.memory_space<vmem>>) target_semaphore(%run_scoped3A : memref<!tpu.dma_semaphore, #tpu.memory_space<semaphore_mem>>)
      %dma_wait3A = tpu.memref_slice %arg3[%mul3A_2] : memref<16384xi32, #tpu.memory_space<hbm>> -> memref<512xi32, #tpu.memory_space<hbm>>
      %dma_wait3A_647 = tpu.memref_slice %arg3[%mul3A_2] : memref<16384xi32, #tpu.memory_space<hbm>> -> memref<512xi32, #tpu.memory_space<hbm>>
      tpu.wait_dma2 semaphore(%run_scoped3A : memref<!tpu.dma_semaphore, #tpu.memory_space<semaphore_mem>>) src(%dma_wait3A_647 : memref<512xi32, #tpu.memory_space<hbm>>) dst(%arg5 : memref<512xi32, #tpu.memory_space<vmem>>)
      tpu.yield
    }) : () -> ()
    %iota3A = tpu.iota {dimensions = array<i32: 0>} : vector<16xi32>
    %get3A = arith.constant 0 : index
    %get3A_3 = tpu.vector_load %arg5[%get3A] {strides = array<i32>} : memref<512xi32, #tpu.memory_space<vmem>>, vector<16xi32>,
    %slice3A = vector.extract_strided_slice %get3A_3 {offsets = [0], sizes = [1], strides = [1]} : vector<16xi32> to vector<1xi32>
    %squeeze3A = vector.extract %slice3A[0] : i32 from vector<1xi32>
    %shift_right_arithmetic3A = arith.constant 7 : i32
    %shift_right_arithmetic3A_4 = arith.shrsi %squeeze3A, %shift_right_arithmetic3A : i32
    %shift_left3A = arith.constant 7 : i32
    %shift_left3A_5 = arith.shli %shift_right_arithmetic3A_4, %shift_left3A : i32
    %multiple_of3A = tpu.assume_multiple %shift_left3A_5, 128 : i32
    %dma_start3A = arith.constant 0 : i32
    %dma_start3A_6 = arith.constant 0 : i32
    %dma_start3A_7 = arith.constant 0 : i32
    %dma_start3A_8 = tpu.memref_slice %arg6[%dma_start3A, %dma_start3A_6, %dma_start3A_7] : memref<3x16x2048xf32, #tpu.memory_space<vmem>> -> memref<1x16x128xf32, #tpu.memory_space<vmem>>
    %dma_start3A_9 = tpu.memref_squeeze %dma_start3A_8 : memref<1x16x128xf32, #tpu.memory_space<vmem>> -> memref<16x128xf32, #tpu.memory_space<vmem>>
    %dma_start3A_10 = arith.constant 0 : i32
    %dma_start3A_11 = tpu.memref_slice %arg2[%dma_start3A_10, %multiple_of3A] : memref<16x1000000xf32, #tpu.memory_space<hbm>> -> memref<16x128xf32, #tpu.memory_space<hbm>>
    %dma_start3A_12 = arith.constant 0 : i32
    %dma_start3A_13 = arith.constant 0 : i32
    %dma_start3A_14 = tpu.memref_slice %arg6[%dma_start3A, %dma_start3A_12, %dma_start3A_13] : memref<3x16x2048xf32, #tpu.memory_space<vmem>> -> memref<1x16x128xf32, #tpu.memory_space<vmem>>
    %dma_start3A_15 = tpu.memref_squeeze %dma_start3A_14 : memref<1x16x128xf32, #tpu.memory_space<vmem>> -> memref<16x128xf32, #tpu.memory_space<vmem>>
    %dma_start3A_16 = arith.constant 0 : i32
    %dma_start3A_17 = tpu.memref_slice %arg2[%dma_start3A_16, %multiple_of3A] : memref<16x1000000xf32, #tpu.memory_space<hbm>> -> memref<16x128xf32, #tpu.memory_space<hbm>>
    tpu.enqueue_dma source(%dma_start3A_17 : memref<16x128xf32, #tpu.memory_space<hbm>>) target(%dma_start3A_15 : memref<16x128xf32, #tpu.memory_space<vmem>>) target_semaphore(%arg8 : memref<!tpu.dma_semaphore, #tpu.memory_space<semaphore_mem>>)
    %slice3A_18 = vector.extract_strided_slice %get3A_3 {offsets = [1], sizes = [1], strides = [1]} : vector<16xi32> to vector<1xi32>
    %squeeze3A_19 = vector.extract %slice3A_18[0] : i32 from vector<1xi32>
    %shift_right_arithmetic3A_20 = arith.constant 7 : i32
    %shift_right_arithmetic3A_21 = arith.shrsi %squeeze3A_19, %shift_right_arithmetic3A_20 : i32
    %shift_left3A_22 = arith.constant 7 : i32
    %shift_left3A_23 = arith.shli %shift_right_arithmetic3A_21, %shift_left3A_22 : i32
    %multiple_of3A_24 = tpu.assume_multiple %shift_left3A_23, 128 : i32
    %dma_start3A_25 = arith.constant 0 : i32
    %dma_start3A_26 = arith.constant 0 : i32
    %dma_start3A_27 = arith.constant 128 : i32
    %dma_start3A_28 = tpu.memref_slice %arg6[%dma_start3A_25, %dma_start3A_26, %dma_start3A_27] : memref<3x16x2048xf32, #tpu.memory_space<vmem>> -> memref<1x16x128xf32, #tpu.memory_space<vmem>>
    %dma_start3A_29 = tpu.memref_squeeze %dma_start3A_28 : memref<1x16x128xf32, #tpu.memory_space<vmem>> -> memref<16x128xf32, #tpu.memory_space<vmem>>
    %dma_start3A_30 = arith.constant 0 : i32
    %dma_start3A_31 = tpu.memref_slice %arg2[%dma_start3A_30, %multiple_of3A_24] : memref<16x1000000xf32, #tpu.memory_space<hbm>> -> memref<16x128xf32, #tpu.memory_space<hbm>>
    %dma_start3A_32 = arith.constant 0 : i32
    %dma_start3A_33 = arith.constant 128 : i32
    %dma_start3A_34 = tpu.memref_slice %arg6[%dma_start3A_25, %dma_start3A_32, %dma_start3A_33] : memref<3x16x2048xf32, #tpu.memory_space<vmem>> -> memref<1x16x128xf32, #tpu.memory_space<vmem>>
    %dma_start3A_35 = tpu.memref_squeeze %dma_start3A_34 : memref<1x16x128xf32, #tpu.memory_space<vmem>> -> memref<16x128xf32, #tpu.memory_space<vmem>>
    %dma_start3A_36 = arith.constant 0 : i32
    %dma_start3A_37 = tpu.memref_slice %arg2[%dma_start3A_36, %multiple_of3A_24] : memref<16x1000000xf32, #tpu.memory_space<hbm>> -> memref<16x128xf32, #tpu.memory_space<hbm>>
    tpu.enqueue_dma source(%dma_start3A_37 : memref<16x128xf32, #tpu.memory_space<hbm>>) target(%dma_start3A_35 : memref<16x128xf32, #tpu.memory_space<vmem>>) target_semaphore(%arg8 : memref<!tpu.dma_semaphore, #tpu.memory_space<semaphore_mem>>)
    %slice3A_38 = vector.extract_strided_slice %get3A_3 {offsets = [2], sizes = [1], strides = [1]} : vector<16xi32> to vector<1xi32>
    %squeeze3A_39 = vector.extract %slice3A_38[0] : i32 from vector<1xi32>
    %shift_right_arithmetic3A_40 = arith.constant 7 : i32
    %shift_right_arithmetic3A_41 = arith.shrsi %squeeze3A_39, %shift_right_arithmetic3A_40 : i32
    %shift_left3A_42 = arith.constant 7 : i32
    %shift_left3A_43 = arith.shli %shift_right_arithmetic3A_41, %shift_left3A_42 : i32
    %multiple_of3A_44 = tpu.assume_multiple %shift_left3A_43, 128 : i32
    %dma_start3A_45 = arith.constant 0 : i32
    %dma_start3A_46 = arith.constant 0 : i32
    %dma_start3A_47 = arith.constant 256 : i32
    %dma_start3A_48 = tpu.memref_slice %arg6[%dma_start3A_45, %dma_start3A_46, %dma_start3A_47] : memref<3x16x2048xf32, #tpu.memory_space<vmem>> -> memref<1x16x128xf32, #tpu.memory_space<vmem>>
    %dma_start3A_49 = tpu.memref_squeeze %dma_start3A_48 : memref<1x16x128xf32, #tpu.memory_space<vmem>> -> memref<16x128xf32, #tpu.memory_space<vmem>>
    %dma_start3A_50 = arith.constant 0 : i32
    %dma_start3A_51 = tpu.memref_slice %arg2[%dma_start3A_50, %multiple_of3A_44] : memref<16x1000000xf32, #tpu.memory_space<hbm>> -> memref<16x128xf32, #tpu.memory_space<hbm>>
    %dma_start3A_52 = arith.constant 0 : i32
    %dma_start3A_53 = arith.constant 256 : i32
    %dma_start3A_54 = tpu.memref_slice %arg6[%dma_start3A_45, %dma_start3A_52, %dma_start3A_53] : memref<3x16x2048xf32, #tpu.memory_space<vmem>> -> memref<1x16x128xf32, #tpu.memory_space<vmem>>
    %dma_start3A_55 = tpu.memref_squeeze %dma_start3A_54 : memref<1x16x128xf32, #tpu.memory_space<vmem>> -> memref<16x128xf32, #tpu.memory_space<vmem>>
    %dma_start3A_56 = arith.constant 0 : i32
    %dma_start3A_57 = tpu.memref_slice %arg2[%dma_start3A_56, %multiple_of3A_44] : memref<16x1000000xf32, #tpu.memory_space<hbm>> -> memref<16x128xf32, #tpu.memory_space<hbm>>
    tpu.enqueue_dma source(%dma_start3A_57 : memref<16x128xf32, #tpu.memory_space<hbm>>) target(%dma_start3A_55 : memref<16x128xf32, #tpu.memory_space<vmem>>) target_semaphore(%arg8 : memref<!tpu.dma_semaphore, #tpu.memory_space<semaphore_mem>>)
    %slice3A_58 = vector.extract_strided_slice %get3A_3 {offsets = [3], sizes = [1], strides = [1]} : vector<16xi32> to vector<1xi32>
    %squeeze3A_59 = vector.extract %slice3A_58[0] : i32 from vector<1xi32>
    %shift_right_arithmetic3A_60 = arith.constant 7 : i32
    %shift_right_arithmetic3A_61 = arith.shrsi %squeeze3A_59, %shift_right_arithmetic3A_60 : i32
    %shift_left3A_62 = arith.constant 7 : i32
    %shift_left3A_63 = arith.shli %shift_right_arithmetic3A_61, %shift_left3A_62 : i32
    %multiple_of3A_64 = tpu.assume_multiple %shift_left3A_63, 128 : i32
    %dma_start3A_65 = arith.constant 0 : i32
    %dma_start3A_66 = arith.constant 0 : i32
    %dma_start3A_67 = arith.constant 384 : i32
    %dma_start3A_68 = tpu.memref_slice %arg6[%dma_start3A_65, %dma_start3A_66, %dma_start3A_67] : memref<3x16x2048xf32, #tpu.memory_space<vmem>> -> memref<1x16x128xf32, #tpu.memory_space<vmem>>
    %dma_start3A_69 = tpu.memref_squeeze %dma_start3A_68 : memref<1x16x128xf32, #tpu.memory_space<vmem>> -> memref<16x128xf32, #tpu.memory_space<vmem>>
    %dma_start3A_70 = arith.constant 0 : i32
    %dma_start3A_71 = tpu.memref_slice %arg2[%dma_start3A_70, %multiple_of3A_64] : memref<16x1000000xf32, #tpu.memory_space<hbm>> -> memref<16x128xf32, #tpu.memory_space<hbm>>
    %dma_start3A_72 = arith.constant 0 : i32
    %dma_start3A_73 = arith.constant 384 : i32
    %dma_start3A_74 = tpu.memref_slice %arg6[%dma_start3A_65, %dma_start3A_72, %dma_start3A_73] : memref<3x16x2048xf32, #tpu.memory_space<vmem>> -> memref<1x16x128xf32, #tpu.memory_space<vmem>>
    %dma_start3A_75 = tpu.memref_squeeze %dma_start3A_74 : memref<1x16x128xf32, #tpu.memory_space<vmem>> -> memref<16x128xf32, #tpu.memory_space<vmem>>
    %dma_start3A_76 = arith.constant 0 : i32
    %dma_start3A_77 = tpu.memref_slice %arg2[%dma_start3A_76, %multiple_of3A_64] : memref<16x1000000xf32, #tpu.memory_space<hbm>> -> memref<16x128xf32, #tpu.memory_space<hbm>>
    tpu.enqueue_dma source(%dma_start3A_77 : memref<16x128xf32, #tpu.memory_space<hbm>>) target(%dma_start3A_75 : memref<16x128xf32, #tpu.memory_space<vmem>>) target_semaphore(%arg8 : memref<!tpu.dma_semaphore, #tpu.memory_space<semaphore_mem>>)
    %slice3A_78 = vector.extract_strided_slice %get3A_3 {offsets = [4], sizes = [1], strides = [1]} : vector<16xi32> to vector<1xi32>
    %squeeze3A_79 = vector.extract %slice3A_78[0] : i32 from vector<1xi32>
    %shift_right_arithmetic3A_80 = arith.constant 7 : i32
    %shift_right_arithmetic3A_81 = arith.shrsi %squeeze3A_79, %shift_right_arithmetic3A_80 : i32
    %shift_left3A_82 = arith.constant 7 : i32
    %shift_left3A_83 = arith.shli %shift_right_arithmetic3A_81, %shift_left3A_82 : i32
    %multiple_of3A_84 = tpu.assume_multiple %shift_left3A_83, 128 : i32
    %dma_start3A_85 = arith.constant 0 : i32
    %dma_start3A_86 = arith.constant 0 : i32
    %dma_start3A_87 = arith.constant 512 : i32
    %dma_start3A_88 = tpu.memref_slice %arg6[%dma_start3A_85, %dma_start3A_86, %dma_start3A_87] : memref<3x16x2048xf32, #tpu.memory_space<vmem>> -> memref<1x16x128xf32, #tpu.memory_space<vmem>>
    %dma_start3A_89 = tpu.memref_squeeze %dma_start3A_88 : memref<1x16x128xf32, #tpu.memory_space<vmem>> -> memref<16x128xf32, #tpu.memory_space<vmem>>
    %dma_start3A_90 = arith.constant 0 : i32
    %dma_start3A_91 = tpu.memref_slice %arg2[%dma_start3A_90, %multiple_of3A_84] : memref<16x1000000xf32, #tpu.memory_space<hbm>> -> memref<16x128xf32, #tpu.memory_space<hbm>>
    %dma_start3A_92 = arith.constant 0 : i32
    %dma_start3A_93 = arith.constant 512 : i32
    %dma_start3A_94 = tpu.memref_slice %arg6[%dma_start3A_85, %dma_start3A_92, %dma_start3A_93] : memref<3x16x2048xf32, #tpu.memory_space<vmem>> -> memref<1x16x128xf32, #tpu.memory_space<vmem>>
    %dma_start3A_95 = tpu.memref_squeeze %dma_start3A_94 : memref<1x16x128xf32, #tpu.memory_space<vmem>> -> memref<16x128xf32, #tpu.memory_space<vmem>>
    %dma_start3A_96 = arith.constant 0 : i32
    %dma_start3A_97 = tpu.memref_slice %arg2[%dma_start3A_96, %multiple_of3A_84] : memref<16x1000000xf32, #tpu.memory_space<hbm>> -> memref<16x128xf32, #tpu.memory_space<hbm>>
    tpu.enqueue_dma source(%dma_start3A_97 : memref<16x128xf32, #tpu.memory_space<hbm>>) target(%dma_start3A_95 : memref<16x128xf32, #tpu.memory_space<vmem>>) target_semaphore(%arg8 : memref<!tpu.dma_semaphore, #tpu.memory_space<semaphore_mem>>)
    %slice3A_98 = vector.extract_strided_slice %get3A_3 {offsets = [5], sizes = [1], strides = [1]} : vector<16xi32> to vector<1xi32>
    %squeeze3A_99 = vector.extract %slice3A_98[0] : i32 from vector<1xi32>
    %shift_right_arithmetic3A_100 = arith.constant 7 : i32
    %shift_right_arithmetic3A_101 = arith.shrsi %squeeze3A_99, %shift_right_arithmetic3A_100 : i32
    %shift_left3A_102 = arith.constant 7 : i32
    %shift_left3A_103 = arith.shli %shift_right_arithmetic3A_101, %shift_left3A_102 : i32
    %multiple_of3A_104 = tpu.assume_multiple %shift_left3A_103, 128 : i32
    %dma_start3A_105 = arith.constant 0 : i32
    %dma_start3A_106 = arith.constant 0 : i32
    %dma_start3A_107 = arith.constant 640 : i32
    %dma_start3A_108 = tpu.memref_slice %arg6[%dma_start3A_105, %dma_start3A_106, %dma_start3A_107] : memref<3x16x2048xf32, #tpu.memory_space<vmem>> -> memref<1x16x128xf32, #tpu.memory_space<vmem>>
    %dma_start3A_109 = tpu.memref_squeeze %dma_start3A_108 : memref<1x16x128xf32, #tpu.memory_space<vmem>> -> memref<16x128xf32, #tpu.memory_space<vmem>>
    %dma_start3A_110 = arith.constant 0 : i32
    %dma_start3A_111 = tpu.memref_slice %arg2[%dma_start3A_110, %multiple_of3A_104] : memref<16x1000000xf32, #tpu.memory_space<hbm>> -> memref<16x128xf32, #tpu.memory_space<hbm>>
    %dma_start3A_112 = arith.constant 0 : i32
    %dma_start3A_113 = arith.constant 640 : i32
    %dma_start3A_114 = tpu.memref_slice %arg6[%dma_start3A_105, %dma_start3A_112, %dma_start3A_113] : memref<3x16x2048xf32, #tpu.memory_space<vmem>> -> memref<1x16x128xf32, #tpu.memory_space<vmem>>
    %dma_start3A_115 = tpu.memref_squeeze %dma_start3A_114 : memref<1x16x128xf32, #tpu.memory_space<vmem>> -> memref<16x128xf32, #tpu.memory_space<vmem>>
    %dma_start3A_116 = arith.constant 0 : i32
    %dma_start3A_117 = tpu.memref_slice %arg2[%dma_start3A_116, %multiple_of3A_104] : memref<16x1000000xf32, #tpu.memory_space<hbm>> -> memref<16x128xf32, #tpu.memory_space<hbm>>
    tpu.enqueue_dma source(%dma_start3A_117 : memref<16x128xf32, #tpu.memory_space<hbm>>) target(%dma_start3A_115 : memref<16x128xf32, #tpu.memory_space<vmem>>) target_semaphore(%arg8 : memref<!tpu.dma_semaphore, #tpu.memory_space<semaphore_mem>>)
    %slice3A_118 = vector.extract_strided_slice %get3A_3 {offsets = [6], sizes = [1], strides = [1]} : vector<16xi32> to vector<1xi32>
    %squeeze3A_119 = vector.extract %slice3A_118[0] : i32 from vector<1xi32>
    %shift_right_arithmetic3A_120 = arith.constant 7 : i32
    %shift_right_arithmetic3A_121 = arith.shrsi %squeeze3A_119, %shift_right_arithmetic3A_120 : i32
    %shift_left3A_122 = arith.constant 7 : i32
    %shift_left3A_123 = arith.shli %shift_right_arithmetic3A_121, %shift_left3A_122 : i32
    %multiple_of3A_124 = tpu.assume_multiple %shift_left3A_123, 128 : i32
    %dma_start3A_125 = arith.constant 0 : i32
    %dma_start3A_126 = arith.constant 0 : i32
    %dma_start3A_127 = arith.constant 768 : i32
    %dma_start3A_128 = tpu.memref_slice %arg6[%dma_start3A_125, %dma_start3A_126, %dma_start3A_127] : memref<3x16x2048xf32, #tpu.memory_space<vmem>> -> memref<1x16x128xf32, #tpu.memory_space<vmem>>
    %dma_start3A_129 = tpu.memref_squeeze %dma_start3A_128 : memref<1x16x128xf32, #tpu.memory_space<vmem>> -> memref<16x128xf32, #tpu.memory_space<vmem>>
    %dma_start3A_130 = arith.constant 0 : i32
    %dma_start3A_131 = tpu.memref_slice %arg2[%dma_start3A_130, %multiple_of3A_124] : memref<16x1000000xf32, #tpu.memory_space<hbm>> -> memref<16x128xf32, #tpu.memory_space<hbm>>
    %dma_start3A_132 = arith.constant 0 : i32
    %dma_start3A_133 = arith.constant 768 : i32
    %dma_start3A_134 = tpu.memref_slice %arg6[%dma_start3A_125, %dma_start3A_132, %dma_start3A_133] : memref<3x16x2048xf32, #tpu.memory_space<vmem>> -> memref<1x16x128xf32, #tpu.memory_space<vmem>>
    %dma_start3A_135 = tpu.memref_squeeze %dma_start3A_134 : memref<1x16x128xf32, #tpu.memory_space<vmem>> -> memref<16x128xf32, #tpu.memory_space<vmem>>
    %dma_start3A_136 = arith.constant 0 : i32
    %dma_start3A_137 = tpu.memref_slice %arg2[%dma_start3A_136, %multiple_of3A_124] : memref<16x1000000xf32, #tpu.memory_space<hbm>> -> memref<16x128xf32, #tpu.memory_space<hbm>>
    tpu.enqueue_dma source(%dma_start3A_137 : memref<16x128xf32, #tpu.memory_space<hbm>>) target(%dma_start3A_135 : memref<16x128xf32, #tpu.memory_space<vmem>>) target_semaphore(%arg8 : memref<!tpu.dma_semaphore, #tpu.memory_space<semaphore_mem>>)
    %slice3A_138 = vector.extract_strided_slice %get3A_3 {offsets = [7], sizes = [1], strides = [1]} : vector<16xi32> to vector<1xi32>
    %squeeze3A_139 = vector.extract %slice3A_138[0] : i32 from vector<1xi32>
    %shift_right_arithmetic3A_140 = arith.constant 7 : i32
    %shift_right_arithmetic3A_141 = arith.shrsi %squeeze3A_139, %shift_right_arithmetic3A_140 : i32
    %shift_left3A_142 = arith.constant 7 : i32
    %shift_left3A_143 = arith.shli %shift_right_arithmetic3A_141, %shift_left3A_142 : i32
    %multiple_of3A_144 = tpu.assume_multiple %shift_left3A_143, 128 : i32
    %dma_start3A_145 = arith.constant 0 : i32
    %dma_start3A_146 = arith.constant 0 : i32
    %dma_start3A_147 = arith.constant 896 : i32
    %dma_start3A_148 = tpu.memref_slice %arg6[%dma_start3A_145, %dma_start3A_146, %dma_start3A_147] : memref<3x16x2048xf32, #tpu.memory_space<vmem>> -> memref<1x16x128xf32, #tpu.memory_space<vmem>>
    %dma_start3A_149 = tpu.memref_squeeze %dma_start3A_148 : memref<1x16x128xf32, #tpu.memory_space<vmem>> -> memref<16x128xf32, #tpu.memory_space<vmem>>
    %dma_start3A_150 = arith.constant 0 : i32
    %dma_start3A_151 = tpu.memref_slice %arg2[%dma_start3A_150, %multiple_of3A_144] : memref<16x1000000xf32, #tpu.memory_space<hbm>> -> memref<16x128xf32, #tpu.memory_space<hbm>>
    %dma_start3A_152 = arith.constant 0 : i32
    %dma_start3A_153 = arith.constant 896 : i32
    %dma_start3A_154 = tpu.memref_slice %arg6[%dma_start3A_145, %dma_start3A_152, %dma_start3A_153] : memref<3x16x2048xf32, #tpu.memory_space<vmem>> -> memref<1x16x128xf32, #tpu.memory_space<vmem>>
    %dma_start3A_155 = tpu.memref_squeeze %dma_start3A_154 : memref<1x16x128xf32, #tpu.memory_space<vmem>> -> memref<16x128xf32, #tpu.memory_space<vmem>>
    %dma_start3A_156 = arith.constant 0 : i32
    %dma_start3A_157 = tpu.memref_slice %arg2[%dma_start3A_156, %multiple_of3A_144] : memref<16x1000000xf32, #tpu.memory_space<hbm>> -> memref<16x128xf32, #tpu.memory_space<hbm>>
    tpu.enqueue_dma source(%dma_start3A_157 : memref<16x128xf32, #tpu.memory_space<hbm>>) target(%dma_start3A_155 : memref<16x128xf32, #tpu.memory_space<vmem>>) target_semaphore(%arg8 : memref<!tpu.dma_semaphore, #tpu.memory_space<semaphore_mem>>)
    %slice3A_158 = vector.extract_strided_slice %get3A_3 {offsets = [8], sizes = [1], strides = [1]} : vector<16xi32> to vector<1xi32>
    %squeeze3A_159 = vector.extract %slice3A_158[0] : i32 from vector<1xi32>
    %shift_right_arithmetic3A_160 = arith.constant 7 : i32
    %shift_right_arithmetic3A_161 = arith.shrsi %squeeze3A_159, %shift_right_arithmetic3A_160 : i32
    %shift_left3A_162 = arith.constant 7 : i32
    %shift_left3A_163 = arith.shli %shift_right_arithmetic3A_161, %shift_left3A_162 : i32
    %multiple_of3A_164 = tpu.assume_multiple %shift_left3A_163, 128 : i32
    %dma_start3A_165 = arith.constant 0 : i32
    %dma_start3A_166 = arith.constant 0 : i32
    %dma_start3A_167 = arith.constant 1024 : i32
    %dma_start3A_168 = tpu.memref_slice %arg6[%dma_start3A_165, %dma_start3A_166, %dma_start3A_167] : memref<3x16x2048xf32, #tpu.memory_space<vmem>> -> memref<1x16x128xf32, #tpu.memory_space<vmem>>
    %dma_start3A_169 = tpu.memref_squeeze %dma_start3A_168 : memref<1x16x128xf32, #tpu.memory_space<vmem>> -> memref<16x128xf32, #tpu.memory_space<vmem>>
    %dma_start3A_170 = arith.constant 0 : i32
    %dma_start3A_171 = tpu.memref_slice %arg2[%dma_start3A_170, %multiple_of3A_164] : memref<16x1000000xf32, #tpu.memory_space<hbm>> -> memref<16x128xf32, #tpu.memory_space<hbm>>
    %dma_start3A_172 = arith.constant 0 : i32
    %dma_start3A_173 = arith.constant 1024 : i32
    %dma_start3A_174 = tpu.memref_slice %arg6[%dma_start3A_165, %dma_start3A_172, %dma_start3A_173] : memref<3x16x2048xf32, #tpu.memory_space<vmem>> -> memref<1x16x128xf32, #tpu.memory_space<vmem>>
    %dma_start3A_175 = tpu.memref_squeeze %dma_start3A_174 : memref<1x16x128xf32, #tpu.memory_space<vmem>> -> memref<16x128xf32, #tpu.memory_space<vmem>>
    %dma_start3A_176 = arith.constant 0 : i32
    %dma_start3A_177 = tpu.memref_slice %arg2[%dma_start3A_176, %multiple_of3A_164] : memref<16x1000000xf32, #tpu.memory_space<hbm>> -> memref<16x128xf32, #tpu.memory_space<hbm>>
    tpu.enqueue_dma source(%dma_start3A_177 : memref<16x128xf32, #tpu.memory_space<hbm>>) target(%dma_start3A_175 : memref<16x128xf32, #tpu.memory_space<vmem>>) target_semaphore(%arg8 : memref<!tpu.dma_semaphore, #tpu.memory_space<semaphore_mem>>)
    %slice3A_178 = vector.extract_strided_slice %get3A_3 {offsets = [9], sizes = [1], strides = [1]} : vector<16xi32> to vector<1xi32>
    %squeeze3A_179 = vector.extract %slice3A_178[0] : i32 from vector<1xi32>
    %shift_right_arithmetic3A_180 = arith.constant 7 : i32
    %shift_right_arithmetic3A_181 = arith.shrsi %squeeze3A_179, %shift_right_arithmetic3A_180 : i32
    %shift_left3A_182 = arith.constant 7 : i32
    %shift_left3A_183 = arith.shli %shift_right_arithmetic3A_181, %shift_left3A_182 : i32
    %multiple_of3A_184 = tpu.assume_multiple %shift_left3A_183, 128 : i32
    %dma_start3A_185 = arith.constant 0 : i32
    %dma_start3A_186 = arith.constant 0 : i32
    %dma_start3A_187 = arith.constant 1152 : i32
    %dma_start3A_188 = tpu.memref_slice %arg6[%dma_start3A_185, %dma_start3A_186, %dma_start3A_187] : memref<3x16x2048xf32, #tpu.memory_space<vmem>> -> memref<1x16x128xf32, #tpu.memory_space<vmem>>
    %dma_start3A_189 = tpu.memref_squeeze %dma_start3A_188 : memref<1x16x128xf32, #tpu.memory_space<vmem>> -> memref<16x128xf32, #tpu.memory_space<vmem>>
    %dma_start3A_190 = arith.constant 0 : i32
    %dma_start3A_191 = tpu.memref_slice %arg2[%dma_start3A_190, %multiple_of3A_184] : memref<16x1000000xf32, #tpu.memory_space<hbm>> -> memref<16x128xf32, #tpu.memory_space<hbm>>
    %dma_start3A_192 = arith.constant 0 : i32
    %dma_start3A_193 = arith.constant 1152 : i32
    %dma_start3A_194 = tpu.memref_slice %arg6[%dma_start3A_185, %dma_start3A_192, %dma_start3A_193] : memref<3x16x2048xf32, #tpu.memory_space<vmem>> -> memref<1x16x128xf32, #tpu.memory_space<vmem>>
    %dma_start3A_195 = tpu.memref_squeeze %dma_start3A_194 : memref<1x16x128xf32, #tpu.memory_space<vmem>> -> memref<16x128xf32, #tpu.memory_space<vmem>>
    %dma_start3A_196 = arith.constant 0 : i32
    %dma_start3A_197 = tpu.memref_slice %arg2[%dma_start3A_196, %multiple_of3A_184] : memref<16x1000000xf32, #tpu.memory_space<hbm>> -> memref<16x128xf32, #tpu.memory_space<hbm>>
    tpu.enqueue_dma source(%dma_start3A_197 : memref<16x128xf32, #tpu.memory_space<hbm>>) target(%dma_start3A_195 : memref<16x128xf32, #tpu.memory_space<vmem>>) target_semaphore(%arg8 : memref<!tpu.dma_semaphore, #tpu.memory_space<semaphore_mem>>)
    %slice3A_198 = vector.extract_strided_slice %get3A_3 {offsets = [10], sizes = [1], strides = [1]} : vector<16xi32> to vector<1xi32>
    %squeeze3A_199 = vector.extract %slice3A_198[0] : i32 from vector<1xi32>
    %shift_right_arithmetic3A_200 = arith.constant 7 : i32
    %shift_right_arithmetic3A_201 = arith.shrsi %squeeze3A_199, %shift_right_arithmetic3A_200 : i32
    %shift_left3A_202 = arith.constant 7 : i32
    %shift_left3A_203 = arith.shli %shift_right_arithmetic3A_201, %shift_left3A_202 : i32
    %multiple_of3A_204 = tpu.assume_multiple %shift_left3A_203, 128 : i32
    %dma_start3A_205 = arith.constant 0 : i32
    %dma_start3A_206 = arith.constant 0 : i32
    %dma_start3A_207 = arith.constant 1280 : i32
    %dma_start3A_208 = tpu.memref_slice %arg6[%dma_start3A_205, %dma_start3A_206, %dma_start3A_207] : memref<3x16x2048xf32, #tpu.memory_space<vmem>> -> memref<1x16x128xf32, #tpu.memory_space<vmem>>
    %dma_start3A_209 = tpu.memref_squeeze %dma_start3A_208 : memref<1x16x128xf32, #tpu.memory_space<vmem>> -> memref<16x128xf32, #tpu.memory_space<vmem>>
    %dma_start3A_210 = arith.constant 0 : i32
    %dma_start3A_211 = tpu.memref_slice %arg2[%dma_start3A_210, %multiple_of3A_204] : memref<16x1000000xf32, #tpu.memory_space<hbm>> -> memref<16x128xf32, #tpu.memory_space<hbm>>
    %dma_start3A_212 = arith.constant 0 : i32
    %dma_start3A_213 = arith.constant 1280 : i32
    %dma_start3A_214 = tpu.memref_slice %arg6[%dma_start3A_205, %dma_start3A_212, %dma_start3A_213] : memref<3x16x2048xf32, #tpu.memory_space<vmem>> -> memref<1x16x128xf32, #tpu.memory_space<vmem>>
    %dma_start3A_215 = tpu.memref_squeeze %dma_start3A_214 : memref<1x16x128xf32, #tpu.memory_space<vmem>> -> memref<16x128xf32, #tpu.memory_space<vmem>>
    %dma_start3A_216 = arith.constant 0 : i32
    %dma_start3A_217 = tpu.memref_slice %arg2[%dma_start3A_216, %multiple_of3A_204] : memref<16x1000000xf32, #tpu.memory_space<hbm>> -> memref<16x128xf32, #tpu.memory_space<hbm>>
    tpu.enqueue_dma source(%dma_start3A_217 : memref<16x128xf32, #tpu.memory_space<hbm>>) target(%dma_start3A_215 : memref<16x128xf32, #tpu.memory_space<vmem>>) target_semaphore(%arg8 : memref<!tpu.dma_semaphore, #tpu.memory_space<semaphore_mem>>)
    %slice3A_218 = vector.extract_strided_slice %get3A_3 {offsets = [11], sizes = [1], strides = [1]} : vector<16xi32> to vector<1xi32>
    %squeeze3A_219 = vector.extract %slice3A_218[0] : i32 from vector<1xi32>
    %shift_right_arithmetic3A_220 = arith.constant 7 : i32
    %shift_right_arithmetic3A_221 = arith.shrsi %squeeze3A_219, %shift_right_arithmetic3A_220 : i32
    %shift_left3A_222 = arith.constant 7 : i32
    %shift_left3A_223 = arith.shli %shift_right_arithmetic3A_221, %shift_left3A_222 : i32
    %multiple_of3A_224 = tpu.assume_multiple %shift_left3A_223, 128 : i32
    %dma_start3A_225 = arith.constant 0 : i32
    %dma_start3A_226 = arith.constant 0 : i32
    %dma_start3A_227 = arith.constant 1408 : i32
    %dma_start3A_228 = tpu.memref_slice %arg6[%dma_start3A_225, %dma_start3A_226, %dma_start3A_227] : memref<3x16x2048xf32, #tpu.memory_space<vmem>> -> memref<1x16x128xf32, #tpu.memory_space<vmem>>
    %dma_start3A_229 = tpu.memref_squeeze %dma_start3A_228 : memref<1x16x128xf32, #tpu.memory_space<vmem>> -> memref<16x128xf32, #tpu.memory_space<vmem>>
    %dma_start3A_230 = arith.constant 0 : i32
    %dma_start3A_231 = tpu.memref_slice %arg2[%dma_start3A_230, %multiple_of3A_224] : memref<16x1000000xf32, #tpu.memory_space<hbm>> -> memref<16x128xf32, #tpu.memory_space<hbm>>
    %dma_start3A_232 = arith.constant 0 : i32
    %dma_start3A_233 = arith.constant 1408 : i32
    %dma_start3A_234 = tpu.memref_slice %arg6[%dma_start3A_225, %dma_start3A_232, %dma_start3A_233] : memref<3x16x2048xf32, #tpu.memory_space<vmem>> -> memref<1x16x128xf32, #tpu.memory_space<vmem>>
    %dma_start3A_235 = tpu.memref_squeeze %dma_start3A_234 : memref<1x16x128xf32, #tpu.memory_space<vmem>> -> memref<16x128xf32, #tpu.memory_space<vmem>>
    %dma_start3A_236 = arith.constant 0 : i32
    %dma_start3A_237 = tpu.memref_slice %arg2[%dma_start3A_236, %multiple_of3A_224] : memref<16x1000000xf32, #tpu.memory_space<hbm>> -> memref<16x128xf32, #tpu.memory_space<hbm>>
    tpu.enqueue_dma source(%dma_start3A_237 : memref<16x128xf32, #tpu.memory_space<hbm>>) target(%dma_start3A_235 : memref<16x128xf32, #tpu.memory_space<vmem>>) target_semaphore(%arg8 : memref<!tpu.dma_semaphore, #tpu.memory_space<semaphore_mem>>)
    %slice3A_238 = vector.extract_strided_slice %get3A_3 {offsets = [12], sizes = [1], strides = [1]} : vector<16xi32> to vector<1xi32>
    %squeeze3A_239 = vector.extract %slice3A_238[0] : i32 from vector<1xi32>
    %shift_right_arithmetic3A_240 = arith.constant 7 : i32
    %shift_right_arithmetic3A_241 = arith.shrsi %squeeze3A_239, %shift_right_arithmetic3A_240 : i32
    %shift_left3A_242 = arith.constant 7 : i32
    %shift_left3A_243 = arith.shli %shift_right_arithmetic3A_241, %shift_left3A_242 : i32
    %multiple_of3A_244 = tpu.assume_multiple %shift_left3A_243, 128 : i32
    %dma_start3A_245 = arith.constant 0 : i32
    %dma_start3A_246 = arith.constant 0 : i32
    %dma_start3A_247 = arith.constant 1536 : i32
    %dma_start3A_248 = tpu.memref_slice %arg6[%dma_start3A_245, %dma_start3A_246, %dma_start3A_247] : memref<3x16x2048xf32, #tpu.memory_space<vmem>> -> memref<1x16x128xf32, #tpu.memory_space<vmem>>
    %dma_start3A_249 = tpu.memref_squeeze %dma_start3A_248 : memref<1x16x128xf32, #tpu.memory_space<vmem>> -> memref<16x128xf32, #tpu.memory_space<vmem>>
    %dma_start3A_250 = arith.constant 0 : i32
    %dma_start3A_251 = tpu.memref_slice %arg2[%dma_start3A_250, %multiple_of3A_244] : memref<16x1000000xf32, #tpu.memory_space<hbm>> -> memref<16x128xf32, #tpu.memory_space<hbm>>
    %dma_start3A_252 = arith.constant 0 : i32
    %dma_start3A_253 = arith.constant 1536 : i32
    %dma_start3A_254 = tpu.memref_slice %arg6[%dma_start3A_245, %dma_start3A_252, %dma_start3A_253] : memref<3x16x2048xf32, #tpu.memory_space<vmem>> -> memref<1x16x128xf32, #tpu.memory_space<vmem>>
    %dma_start3A_255 = tpu.memref_squeeze %dma_start3A_254 : memref<1x16x128xf32, #tpu.memory_space<vmem>> -> memref<16x128xf32, #tpu.memory_space<vmem>>
    %dma_start3A_256 = arith.constant 0 : i32
    %dma_start3A_257 = tpu.memref_slice %arg2[%dma_start3A_256, %multiple_of3A_244] : memref<16x1000000xf32, #tpu.memory_space<hbm>> -> memref<16x128xf32, #tpu.memory_space<hbm>>
    tpu.enqueue_dma source(%dma_start3A_257 : memref<16x128xf32, #tpu.memory_space<hbm>>) target(%dma_start3A_255 : memref<16x128xf32, #tpu.memory_space<vmem>>) target_semaphore(%arg8 : memref<!tpu.dma_semaphore, #tpu.memory_space<semaphore_mem>>)
    %slice3A_258 = vector.extract_strided_slice %get3A_3 {offsets = [13], sizes = [1], strides = [1]} : vector<16xi32> to vector<1xi32>
    %squeeze3A_259 = vector.extract %slice3A_258[0] : i32 from vector<1xi32>
    %shift_right_arithmetic3A_260 = arith.constant 7 : i32
    %shift_right_arithmetic3A_261 = arith.shrsi %squeeze3A_259, %shift_right_arithmetic3A_260 : i32
    %shift_left3A_262 = arith.constant 7 : i32
    %shift_left3A_263 = arith.shli %shift_right_arithmetic3A_261, %shift_left3A_262 : i32
    %multiple_of3A_264 = tpu.assume_multiple %shift_left3A_263, 128 : i32
    %dma_start3A_265 = arith.constant 0 : i32
    %dma_start3A_266 = arith.constant 0 : i32
    %dma_start3A_267 = arith.constant 1664 : i32
    %dma_start3A_268 = tpu.memref_slice %arg6[%dma_start3A_265, %dma_start3A_266, %dma_start3A_267] : memref<3x16x2048xf32, #tpu.memory_space<vmem>> -> memref<1x16x128xf32, #tpu.memory_space<vmem>>
    %dma_start3A_269 = tpu.memref_squeeze %dma_start3A_268 : memref<1x16x128xf32, #tpu.memory_space<vmem>> -> memref<16x128xf32, #tpu.memory_space<vmem>>
    %dma_start3A_270 = arith.constant 0 : i32
    %dma_start3A_271 = tpu.memref_slice %arg2[%dma_start3A_270, %multiple_of3A_264] : memref<16x1000000xf32, #tpu.memory_space<hbm>> -> memref<16x128xf32, #tpu.memory_space<hbm>>
    %dma_start3A_272 = arith.constant 0 : i32
    %dma_start3A_273 = arith.constant 1664 : i32
    %dma_start3A_274 = tpu.memref_slice %arg6[%dma_start3A_265, %dma_start3A_272, %dma_start3A_273] : memref<3x16x2048xf32, #tpu.memory_space<vmem>> -> memref<1x16x128xf32, #tpu.memory_space<vmem>>
    %dma_start3A_275 = tpu.memref_squeeze %dma_start3A_274 : memref<1x16x128xf32, #tpu.memory_space<vmem>> -> memref<16x128xf32, #tpu.memory_space<vmem>>
    %dma_start3A_276 = arith.constant 0 : i32
    %dma_start3A_277 = tpu.memref_slice %arg2[%dma_start3A_276, %multiple_of3A_264] : memref<16x1000000xf32, #tpu.memory_space<hbm>> -> memref<16x128xf32, #tpu.memory_space<hbm>>
    tpu.enqueue_dma source(%dma_start3A_277 : memref<16x128xf32, #tpu.memory_space<hbm>>) target(%dma_start3A_275 : memref<16x128xf32, #tpu.memory_space<vmem>>) target_semaphore(%arg8 : memref<!tpu.dma_semaphore, #tpu.memory_space<semaphore_mem>>)
    %slice3A_278 = vector.extract_strided_slice %get3A_3 {offsets = [14], sizes = [1], strides = [1]} : vector<16xi32> to vector<1xi32>
    %squeeze3A_279 = vector.extract %slice3A_278[0] : i32 from vector<1xi32>
    %shift_right_arithmetic3A_280 = arith.constant 7 : i32
    %shift_right_arithmetic3A_281 = arith.shrsi %squeeze3A_279, %shift_right_arithmetic3A_280 : i32
    %shift_left3A_282 = arith.constant 7 : i32
    %shift_left3A_283 = arith.shli %shift_right_arithmetic3A_281, %shift_left3A_282 : i32
    %multiple_of3A_284 = tpu.assume_multiple %shift_left3A_283, 128 : i32
    %dma_start3A_285 = arith.constant 0 : i32
    %dma_start3A_286 = arith.constant 0 : i32
    %dma_start3A_287 = arith.constant 1792 : i32
    %dma_start3A_288 = tpu.memref_slice %arg6[%dma_start3A_285, %dma_start3A_286, %dma_start3A_287] : memref<3x16x2048xf32, #tpu.memory_space<vmem>> -> memref<1x16x128xf32, #tpu.memory_space<vmem>>
    %dma_start3A_289 = tpu.memref_squeeze %dma_start3A_288 : memref<1x16x128xf32, #tpu.memory_space<vmem>> -> memref<16x128xf32, #tpu.memory_space<vmem>>
    %dma_start3A_290 = arith.constant 0 : i32
    %dma_start3A_291 = tpu.memref_slice %arg2[%dma_start3A_290, %multiple_of3A_284] : memref<16x1000000xf32, #tpu.memory_space<hbm>> -> memref<16x128xf32, #tpu.memory_space<hbm>>
    %dma_start3A_292 = arith.constant 0 : i32
    %dma_start3A_293 = arith.constant 1792 : i32
    %dma_start3A_294 = tpu.memref_slice %arg6[%dma_start3A_285, %dma_start3A_292, %dma_start3A_293] : memref<3x16x2048xf32, #tpu.memory_space<vmem>> -> memref<1x16x128xf32, #tpu.memory_space<vmem>>
    %dma_start3A_295 = tpu.memref_squeeze %dma_start3A_294 : memref<1x16x128xf32, #tpu.memory_space<vmem>> -> memref<16x128xf32, #tpu.memory_space<vmem>>
    %dma_start3A_296 = arith.constant 0 : i32
    %dma_start3A_297 = tpu.memref_slice %arg2[%dma_start3A_296, %multiple_of3A_284] : memref<16x1000000xf32, #tpu.memory_space<hbm>> -> memref<16x128xf32, #tpu.memory_space<hbm>>
    tpu.enqueue_dma source(%dma_start3A_297 : memref<16x128xf32, #tpu.memory_space<hbm>>) target(%dma_start3A_295 : memref<16x128xf32, #tpu.memory_space<vmem>>) target_semaphore(%arg8 : memref<!tpu.dma_semaphore, #tpu.memory_space<semaphore_mem>>)
    %slice3A_298 = vector.extract_strided_slice %get3A_3 {offsets = [15], sizes = [1], strides = [1]} : vector<16xi32> to vector<1xi32>
    %squeeze3A_299 = vector.extract %slice3A_298[0] : i32 from vector<1xi32>
    %shift_right_arithmetic3A_300 = arith.constant 7 : i32
    %shift_right_arithmetic3A_301 = arith.shrsi %squeeze3A_299, %shift_right_arithmetic3A_300 : i32
    %shift_left3A_302 = arith.constant 7 : i32
    %shift_left3A_303 = arith.shli %shift_right_arithmetic3A_301, %shift_left3A_302 : i32
    %multiple_of3A_304 = tpu.assume_multiple %shift_left3A_303, 128 : i32
    %dma_start3A_305 = arith.constant 0 : i32
    %dma_start3A_306 = arith.constant 0 : i32
    %dma_start3A_307 = arith.constant 1920 : i32
    %dma_start3A_308 = tpu.memref_slice %arg6[%dma_start3A_305, %dma_start3A_306, %dma_start3A_307] : memref<3x16x2048xf32, #tpu.memory_space<vmem>> -> memref<1x16x128xf32, #tpu.memory_space<vmem>>
    %dma_start3A_309 = tpu.memref_squeeze %dma_start3A_308 : memref<1x16x128xf32, #tpu.memory_space<vmem>> -> memref<16x128xf32, #tpu.memory_space<vmem>>
    %dma_start3A_310 = arith.constant 0 : i32
    %dma_start3A_311 = tpu.memref_slice %arg2[%dma_start3A_310, %multiple_of3A_304] : memref<16x1000000xf32, #tpu.memory_space<hbm>> -> memref<16x128xf32, #tpu.memory_space<hbm>>
    %dma_start3A_312 = arith.constant 0 : i32
    %dma_start3A_313 = arith.constant 1920 : i32
    %dma_start3A_314 = tpu.memref_slice %arg6[%dma_start3A_305, %dma_start3A_312, %dma_start3A_313] : memref<3x16x2048xf32, #tpu.memory_space<vmem>> -> memref<1x16x128xf32, #tpu.memory_space<vmem>>
    %dma_start3A_315 = tpu.memref_squeeze %dma_start3A_314 : memref<1x16x128xf32, #tpu.memory_space<vmem>> -> memref<16x128xf32, #tpu.memory_space<vmem>>
    %dma_start3A_316 = arith.constant 0 : i32
    %dma_start3A_317 = tpu.memref_slice %arg2[%dma_start3A_316, %multiple_of3A_304] : memref<16x1000000xf32, #tpu.memory_space<hbm>> -> memref<16x128xf32, #tpu.memory_space<hbm>>
    tpu.enqueue_dma source(%dma_start3A_317 : memref<16x128xf32, #tpu.memory_space<hbm>>) target(%dma_start3A_315 : memref<16x128xf32, #tpu.memory_space<vmem>>) target_semaphore(%arg8 : memref<!tpu.dma_semaphore, #tpu.memory_space<semaphore_mem>>)
    %get3A_318 = arith.constant 16 : index
    %get3A_319 = tpu.vector_load %arg5[%get3A_318] {strides = array<i32>} : memref<512xi32, #tpu.memory_space<vmem>>, vector<16xi32>,
    %slice3A_320 = vector.extract_strided_slice %get3A_319 {offsets = [0], sizes = [1], strides = [1]} : vector<16xi32> to vector<1xi32>
    %squeeze3A_321 = vector.extract %slice3A_320[0] : i32 from vector<1xi32>
    %shift_right_arithmetic3A_322 = arith.constant 7 : i32
    %shift_right_arithmetic3A_323 = arith.shrsi %squeeze3A_321, %shift_right_arithmetic3A_322 : i32
    %shift_left3A_324 = arith.constant 7 : i32
    %shift_left3A_325 = arith.shli %shift_right_arithmetic3A_323, %shift_left3A_324 : i32
    %multiple_of3A_326 = tpu.assume_multiple %shift_left3A_325, 128 : i32
    %dma_start3A_327 = arith.constant 1 : i32
    %dma_start3A_328 = arith.constant 0 : i32
    %dma_start3A_329 = arith.constant 0 : i32
    %dma_start3A_330 = tpu.memref_slice %arg6[%dma_start3A_327, %dma_start3A_328, %dma_start3A_329] : memref<3x16x2048xf32, #tpu.memory_space<vmem>> -> memref<1x16x128xf32, #tpu.memory_space<vmem>>
    %dma_start3A_331 = tpu.memref_squeeze %dma_start3A_330 : memref<1x16x128xf32, #tpu.memory_space<vmem>> -> memref<16x128xf32, #tpu.memory_space<vmem>>
    %dma_start3A_332 = arith.constant 0 : i32
    %dma_start3A_333 = tpu.memref_slice %arg2[%dma_start3A_332, %multiple_of3A_326] : memref<16x1000000xf32, #tpu.memory_space<hbm>> -> memref<16x128xf32, #tpu.memory_space<hbm>>
    %dma_start3A_334 = arith.constant 0 : i32
    %dma_start3A_335 = arith.constant 0 : i32
    %dma_start3A_336 = tpu.memref_slice %arg6[%dma_start3A_327, %dma_start3A_334, %dma_start3A_335] : memref<3x16x2048xf32, #tpu.memory_space<vmem>> -> memref<1x16x128xf32, #tpu.memory_space<vmem>>
    %dma_start3A_337 = tpu.memref_squeeze %dma_start3A_336 : memref<1x16x128xf32, #tpu.memory_space<vmem>> -> memref<16x128xf32, #tpu.memory_space<vmem>>
    %dma_start3A_338 = arith.constant 0 : i32
    %dma_start3A_339 = tpu.memref_slice %arg2[%dma_start3A_338, %multiple_of3A_326] : memref<16x1000000xf32, #tpu.memory_space<hbm>> -> memref<16x128xf32, #tpu.memory_space<hbm>>
    tpu.enqueue_dma source(%dma_start3A_339 : memref<16x128xf32, #tpu.memory_space<hbm>>) target(%dma_start3A_337 : memref<16x128xf32, #tpu.memory_space<vmem>>) target_semaphore(%arg8 : memref<!tpu.dma_semaphore, #tpu.memory_space<semaphore_mem>>)
    %slice3A_340 = vector.extract_strided_slice %get3A_319 {offsets = [1], sizes = [1], strides = [1]} : vector<16xi32> to vector<1xi32>
    %squeeze3A_341 = vector.extract %slice3A_340[0] : i32 from vector<1xi32>
    %shift_right_arithmetic3A_342 = arith.constant 7 : i32
    %shift_right_arithmetic3A_343 = arith.shrsi %squeeze3A_341, %shift_right_arithmetic3A_342 : i32
    %shift_left3A_344 = arith.constant 7 : i32
    %shift_left3A_345 = arith.shli %shift_right_arithmetic3A_343, %shift_left3A_344 : i32
    %multiple_of3A_346 = tpu.assume_multiple %shift_left3A_345, 128 : i32
    %dma_start3A_347 = arith.constant 1 : i32
    %dma_start3A_348 = arith.constant 0 : i32
    %dma_start3A_349 = arith.constant 128 : i32
    %dma_start3A_350 = tpu.memref_slice %arg6[%dma_start3A_347, %dma_start3A_348, %dma_start3A_349] : memref<3x16x2048xf32, #tpu.memory_space<vmem>> -> memref<1x16x128xf32, #tpu.memory_space<vmem>>
    %dma_start3A_351 = tpu.memref_squeeze %dma_start3A_350 : memref<1x16x128xf32, #tpu.memory_space<vmem>> -> memref<16x128xf32, #tpu.memory_space<vmem>>
    %dma_start3A_352 = arith.constant 0 : i32
    %dma_start3A_353 = tpu.memref_slice %arg2[%dma_start3A_352, %multiple_of3A_346] : memref<16x1000000xf32, #tpu.memory_space<hbm>> -> memref<16x128xf32, #tpu.memory_space<hbm>>
    %dma_start3A_354 = arith.constant 0 : i32
    %dma_start3A_355 = arith.constant 128 : i32
    %dma_start3A_356 = tpu.memref_slice %arg6[%dma_start3A_347, %dma_start3A_354, %dma_start3A_355] : memref<3x16x2048xf32, #tpu.memory_space<vmem>> -> memref<1x16x128xf32, #tpu.memory_space<vmem>>
    %dma_start3A_357 = tpu.memref_squeeze %dma_start3A_356 : memref<1x16x128xf32, #tpu.memory_space<vmem>> -> memref<16x128xf32, #tpu.memory_space<vmem>>
    %dma_start3A_358 = arith.constant 0 : i32
    %dma_start3A_359 = tpu.memref_slice %arg2[%dma_start3A_358, %multiple_of3A_346] : memref<16x1000000xf32, #tpu.memory_space<hbm>> -> memref<16x128xf32, #tpu.memory_space<hbm>>
    tpu.enqueue_dma source(%dma_start3A_359 : memref<16x128xf32, #tpu.memory_space<hbm>>) target(%dma_start3A_357 : memref<16x128xf32, #tpu.memory_space<vmem>>) target_semaphore(%arg8 : memref<!tpu.dma_semaphore, #tpu.memory_space<semaphore_mem>>)
    %slice3A_360 = vector.extract_strided_slice %get3A_319 {offsets = [2], sizes = [1], strides = [1]} : vector<16xi32> to vector<1xi32>
    %squeeze3A_361 = vector.extract %slice3A_360[0] : i32 from vector<1xi32>
    %shift_right_arithmetic3A_362 = arith.constant 7 : i32
    %shift_right_arithmetic3A_363 = arith.shrsi %squeeze3A_361, %shift_right_arithmetic3A_362 : i32
    %shift_left3A_364 = arith.constant 7 : i32
    %shift_left3A_365 = arith.shli %shift_right_arithmetic3A_363, %shift_left3A_364 : i32
    %multiple_of3A_366 = tpu.assume_multiple %shift_left3A_365, 128 : i32
    %dma_start3A_367 = arith.constant 1 : i32
    %dma_start3A_368 = arith.constant 0 : i32
    %dma_start3A_369 = arith.constant 256 : i32
    %dma_start3A_370 = tpu.memref_slice %arg6[%dma_start3A_367, %dma_start3A_368, %dma_start3A_369] : memref<3x16x2048xf32, #tpu.memory_space<vmem>> -> memref<1x16x128xf32, #tpu.memory_space<vmem>>
    %dma_start3A_371 = tpu.memref_squeeze %dma_start3A_370 : memref<1x16x128xf32, #tpu.memory_space<vmem>> -> memref<16x128xf32, #tpu.memory_space<vmem>>
    %dma_start3A_372 = arith.constant 0 : i32
    %dma_start3A_373 = tpu.memref_slice %arg2[%dma_start3A_372, %multiple_of3A_366] : memref<16x1000000xf32, #tpu.memory_space<hbm>> -> memref<16x128xf32, #tpu.memory_space<hbm>>
    %dma_start3A_374 = arith.constant 0 : i32
    %dma_start3A_375 = arith.constant 256 : i32
    %dma_start3A_376 = tpu.memref_slice %arg6[%dma_start3A_367, %dma_start3A_374, %dma_start3A_375] : memref<3x16x2048xf32, #tpu.memory_space<vmem>> -> memref<1x16x128xf32, #tpu.memory_space<vmem>>
    %dma_start3A_377 = tpu.memref_squeeze %dma_start3A_376 : memref<1x16x128xf32, #tpu.memory_space<vmem>> -> memref<16x128xf32, #tpu.memory_space<vmem>>
    %dma_start3A_378 = arith.constant 0 : i32
    %dma_start3A_379 = tpu.memref_slice %arg2[%dma_start3A_378, %multiple_of3A_366] : memref<16x1000000xf32, #tpu.memory_space<hbm>> -> memref<16x128xf32, #tpu.memory_space<hbm>>
    tpu.enqueue_dma source(%dma_start3A_379 : memref<16x128xf32, #tpu.memory_space<hbm>>) target(%dma_start3A_377 : memref<16x128xf32, #tpu.memory_space<vmem>>) target_semaphore(%arg8 : memref<!tpu.dma_semaphore, #tpu.memory_space<semaphore_mem>>)
    %slice3A_380 = vector.extract_strided_slice %get3A_319 {offsets = [3], sizes = [1], strides = [1]} : vector<16xi32> to vector<1xi32>
    %squeeze3A_381 = vector.extract %slice3A_380[0] : i32 from vector<1xi32>
    %shift_right_arithmetic3A_382 = arith.constant 7 : i32
    %shift_right_arithmetic3A_383 = arith.shrsi %squeeze3A_381, %shift_right_arithmetic3A_382 : i32
    %shift_left3A_384 = arith.constant 7 : i32
    %shift_left3A_385 = arith.shli %shift_right_arithmetic3A_383, %shift_left3A_384 : i32
    %multiple_of3A_386 = tpu.assume_multiple %shift_left3A_385, 128 : i32
    %dma_start3A_387 = arith.constant 1 : i32
    %dma_start3A_388 = arith.constant 0 : i32
    %dma_start3A_389 = arith.constant 384 : i32
    %dma_start3A_390 = tpu.memref_slice %arg6[%dma_start3A_387, %dma_start3A_388, %dma_start3A_389] : memref<3x16x2048xf32, #tpu.memory_space<vmem>> -> memref<1x16x128xf32, #tpu.memory_space<vmem>>
    %dma_start3A_391 = tpu.memref_squeeze %dma_start3A_390 : memref<1x16x128xf32, #tpu.memory_space<vmem>> -> memref<16x128xf32, #tpu.memory_space<vmem>>
    %dma_start3A_392 = arith.constant 0 : i32
    %dma_start3A_393 = tpu.memref_slice %arg2[%dma_start3A_392, %multiple_of3A_386] : memref<16x1000000xf32, #tpu.memory_space<hbm>> -> memref<16x128xf32, #tpu.memory_space<hbm>>
    %dma_start3A_394 = arith.constant 0 : i32
    %dma_start3A_395 = arith.constant 384 : i32
    %dma_start3A_396 = tpu.memref_slice %arg6[%dma_start3A_387, %dma_start3A_394, %dma_start3A_395] : memref<3x16x2048xf32, #tpu.memory_space<vmem>> -> memref<1x16x128xf32, #tpu.memory_space<vmem>>
    %dma_start3A_397 = tpu.memref_squeeze %dma_start3A_396 : memref<1x16x128xf32, #tpu.memory_space<vmem>> -> memref<16x128xf32, #tpu.memory_space<vmem>>
    %dma_start3A_398 = arith.constant 0 : i32
    %dma_start3A_399 = tpu.memref_slice %arg2[%dma_start3A_398, %multiple_of3A_386] : memref<16x1000000xf32, #tpu.memory_space<hbm>> -> memref<16x128xf32, #tpu.memory_space<hbm>>
    tpu.enqueue_dma source(%dma_start3A_399 : memref<16x128xf32, #tpu.memory_space<hbm>>) target(%dma_start3A_397 : memref<16x128xf32, #tpu.memory_space<vmem>>) target_semaphore(%arg8 : memref<!tpu.dma_semaphore, #tpu.memory_space<semaphore_mem>>)
    %slice3A_400 = vector.extract_strided_slice %get3A_319 {offsets = [4], sizes = [1], strides = [1]} : vector<16xi32> to vector<1xi32>
    %squeeze3A_401 = vector.extract %slice3A_400[0] : i32 from vector<1xi32>
    %shift_right_arithmetic3A_402 = arith.constant 7 : i32
    %shift_right_arithmetic3A_403 = arith.shrsi %squeeze3A_401, %shift_right_arithmetic3A_402 : i32
    %shift_left3A_404 = arith.constant 7 : i32
    %shift_left3A_405 = arith.shli %shift_right_arithmetic3A_403, %shift_left3A_404 : i32
    %multiple_of3A_406 = tpu.assume_multiple %shift_left3A_405, 128 : i32
    %dma_start3A_407 = arith.constant 1 : i32
    %dma_start3A_408 = arith.constant 0 : i32
    %dma_start3A_409 = arith.constant 512 : i32
    %dma_start3A_410 = tpu.memref_slice %arg6[%dma_start3A_407, %dma_start3A_408, %dma_start3A_409] : memref<3x16x2048xf32, #tpu.memory_space<vmem>> -> memref<1x16x128xf32, #tpu.memory_space<vmem>>
    %dma_start3A_411 = tpu.memref_squeeze %dma_start3A_410 : memref<1x16x128xf32, #tpu.memory_space<vmem>> -> memref<16x128xf32, #tpu.memory_space<vmem>>
    %dma_start3A_412 = arith.constant 0 : i32
    %dma_start3A_413 = tpu.memref_slice %arg2[%dma_start3A_412, %multiple_of3A_406] : memref<16x1000000xf32, #tpu.memory_space<hbm>> -> memref<16x128xf32, #tpu.memory_space<hbm>>
    %dma_start3A_414 = arith.constant 0 : i32
    %dma_start3A_415 = arith.constant 512 : i32
    %dma_start3A_416 = tpu.memref_slice %arg6[%dma_start3A_407, %dma_start3A_414, %dma_start3A_415] : memref<3x16x2048xf32, #tpu.memory_space<vmem>> -> memref<1x16x128xf32, #tpu.memory_space<vmem>>
    %dma_start3A_417 = tpu.memref_squeeze %dma_start3A_416 : memref<1x16x128xf32, #tpu.memory_space<vmem>> -> memref<16x128xf32, #tpu.memory_space<vmem>>
    %dma_start3A_418 = arith.constant 0 : i32
    %dma_start3A_419 = tpu.memref_slice %arg2[%dma_start3A_418, %multiple_of3A_406] : memref<16x1000000xf32, #tpu.memory_space<hbm>> -> memref<16x128xf32, #tpu.memory_space<hbm>>
    tpu.enqueue_dma source(%dma_start3A_419 : memref<16x128xf32, #tpu.memory_space<hbm>>) target(%dma_start3A_417 : memref<16x128xf32, #tpu.memory_space<vmem>>) target_semaphore(%arg8 : memref<!tpu.dma_semaphore, #tpu.memory_space<semaphore_mem>>)
    %slice3A_420 = vector.extract_strided_slice %get3A_319 {offsets = [5], sizes = [1], strides = [1]} : vector<16xi32> to vector<1xi32>
    %squeeze3A_421 = vector.extract %slice3A_420[0] : i32 from vector<1xi32>
    %shift_right_arithmetic3A_422 = arith.constant 7 : i32
    %shift_right_arithmetic3A_423 = arith.shrsi %squeeze3A_421, %shift_right_arithmetic3A_422 : i32
    %shift_left3A_424 = arith.constant 7 : i32
    %shift_left3A_425 = arith.shli %shift_right_arithmetic3A_423, %shift_left3A_424 : i32
    %multiple_of3A_426 = tpu.assume_multiple %shift_left3A_425, 128 : i32
    %dma_start3A_427 = arith.constant 1 : i32
    %dma_start3A_428 = arith.constant 0 : i32
    %dma_start3A_429 = arith.constant 640 : i32
    %dma_start3A_430 = tpu.memref_slice %arg6[%dma_start3A_427, %dma_start3A_428, %dma_start3A_429] : memref<3x16x2048xf32, #tpu.memory_space<vmem>> -> memref<1x16x128xf32, #tpu.memory_space<vmem>>
    %dma_start3A_431 = tpu.memref_squeeze %dma_start3A_430 : memref<1x16x128xf32, #tpu.memory_space<vmem>> -> memref<16x128xf32, #tpu.memory_space<vmem>>
    %dma_start3A_432 = arith.constant 0 : i32
    %dma_start3A_433 = tpu.memref_slice %arg2[%dma_start3A_432, %multiple_of3A_426] : memref<16x1000000xf32, #tpu.memory_space<hbm>> -> memref<16x128xf32, #tpu.memory_space<hbm>>
    %dma_start3A_434 = arith.constant 0 : i32
    %dma_start3A_435 = arith.constant 640 : i32
    %dma_start3A_436 = tpu.memref_slice %arg6[%dma_start3A_427, %dma_start3A_434, %dma_start3A_435] : memref<3x16x2048xf32, #tpu.memory_space<vmem>> -> memref<1x16x128xf32, #tpu.memory_space<vmem>>
    %dma_start3A_437 = tpu.memref_squeeze %dma_start3A_436 : memref<1x16x128xf32, #tpu.memory_space<vmem>> -> memref<16x128xf32, #tpu.memory_space<vmem>>
    %dma_start3A_438 = arith.constant 0 : i32
    %dma_start3A_439 = tpu.memref_slice %arg2[%dma_start3A_438, %multiple_of3A_426] : memref<16x1000000xf32, #tpu.memory_space<hbm>> -> memref<16x128xf32, #tpu.memory_space<hbm>>
    tpu.enqueue_dma source(%dma_start3A_439 : memref<16x128xf32, #tpu.memory_space<hbm>>) target(%dma_start3A_437 : memref<16x128xf32, #tpu.memory_space<vmem>>) target_semaphore(%arg8 : memref<!tpu.dma_semaphore, #tpu.memory_space<semaphore_mem>>)
    %slice3A_440 = vector.extract_strided_slice %get3A_319 {offsets = [6], sizes = [1], strides = [1]} : vector<16xi32> to vector<1xi32>
    %squeeze3A_441 = vector.extract %slice3A_440[0] : i32 from vector<1xi32>
    %shift_right_arithmetic3A_442 = arith.constant 7 : i32
    %shift_right_arithmetic3A_443 = arith.shrsi %squeeze3A_441, %shift_right_arithmetic3A_442 : i32
    %shift_left3A_444 = arith.constant 7 : i32
    %shift_left3A_445 = arith.shli %shift_right_arithmetic3A_443, %shift_left3A_444 : i32
    %multiple_of3A_446 = tpu.assume_multiple %shift_left3A_445, 128 : i32
    %dma_start3A_447 = arith.constant 1 : i32
    %dma_start3A_448 = arith.constant 0 : i32
    %dma_start3A_449 = arith.constant 768 : i32
    %dma_start3A_450 = tpu.memref_slice %arg6[%dma_start3A_447, %dma_start3A_448, %dma_start3A_449] : memref<3x16x2048xf32, #tpu.memory_space<vmem>> -> memref<1x16x128xf32, #tpu.memory_space<vmem>>
    %dma_start3A_451 = tpu.memref_squeeze %dma_start3A_450 : memref<1x16x128xf32, #tpu.memory_space<vmem>> -> memref<16x128xf32, #tpu.memory_space<vmem>>
    %dma_start3A_452 = arith.constant 0 : i32
    %dma_start3A_453 = tpu.memref_slice %arg2[%dma_start3A_452, %multiple_of3A_446] : memref<16x1000000xf32, #tpu.memory_space<hbm>> -> memref<16x128xf32, #tpu.memory_space<hbm>>
    %dma_start3A_454 = arith.constant 0 : i32
    %dma_start3A_455 = arith.constant 768 : i32
    %dma_start3A_456 = tpu.memref_slice %arg6[%dma_start3A_447, %dma_start3A_454, %dma_start3A_455] : memref<3x16x2048xf32, #tpu.memory_space<vmem>> -> memref<1x16x128xf32, #tpu.memory_space<vmem>>
    %dma_start3A_457 = tpu.memref_squeeze %dma_start3A_456 : memref<1x16x128xf32, #tpu.memory_space<vmem>> -> memref<16x128xf32, #tpu.memory_space<vmem>>
    %dma_start3A_458 = arith.constant 0 : i32
    %dma_start3A_459 = tpu.memref_slice %arg2[%dma_start3A_458, %multiple_of3A_446] : memref<16x1000000xf32, #tpu.memory_space<hbm>> -> memref<16x128xf32, #tpu.memory_space<hbm>>
    tpu.enqueue_dma source(%dma_start3A_459 : memref<16x128xf32, #tpu.memory_space<hbm>>) target(%dma_start3A_457 : memref<16x128xf32, #tpu.memory_space<vmem>>) target_semaphore(%arg8 : memref<!tpu.dma_semaphore, #tpu.memory_space<semaphore_mem>>)
    %slice3A_460 = vector.extract_strided_slice %get3A_319 {offsets = [7], sizes = [1], strides = [1]} : vector<16xi32> to vector<1xi32>
    %squeeze3A_461 = vector.extract %slice3A_460[0] : i32 from vector<1xi32>
    %shift_right_arithmetic3A_462 = arith.constant 7 : i32
    %shift_right_arithmetic3A_463 = arith.shrsi %squeeze3A_461, %shift_right_arithmetic3A_462 : i32
    %shift_left3A_464 = arith.constant 7 : i32
    %shift_left3A_465 = arith.shli %shift_right_arithmetic3A_463, %shift_left3A_464 : i32
    %multiple_of3A_466 = tpu.assume_multiple %shift_left3A_465, 128 : i32
    %dma_start3A_467 = arith.constant 1 : i32
    %dma_start3A_468 = arith.constant 0 : i32
    %dma_start3A_469 = arith.constant 896 : i32
    %dma_start3A_470 = tpu.memref_slice %arg6[%dma_start3A_467, %dma_start3A_468, %dma_start3A_469] : memref<3x16x2048xf32, #tpu.memory_space<vmem>> -> memref<1x16x128xf32, #tpu.memory_space<vmem>>
    %dma_start3A_471 = tpu.memref_squeeze %dma_start3A_470 : memref<1x16x128xf32, #tpu.memory_space<vmem>> -> memref<16x128xf32, #tpu.memory_space<vmem>>
    %dma_start3A_472 = arith.constant 0 : i32
    %dma_start3A_473 = tpu.memref_slice %arg2[%dma_start3A_472, %multiple_of3A_466] : memref<16x1000000xf32, #tpu.memory_space<hbm>> -> memref<16x128xf32, #tpu.memory_space<hbm>>
    %dma_start3A_474 = arith.constant 0 : i32
    %dma_start3A_475 = arith.constant 896 : i32
    %dma_start3A_476 = tpu.memref_slice %arg6[%dma_start3A_467, %dma_start3A_474, %dma_start3A_475] : memref<3x16x2048xf32, #tpu.memory_space<vmem>> -> memref<1x16x128xf32, #tpu.memory_space<vmem>>
    %dma_start3A_477 = tpu.memref_squeeze %dma_start3A_476 : memref<1x16x128xf32, #tpu.memory_space<vmem>> -> memref<16x128xf32, #tpu.memory_space<vmem>>
    %dma_start3A_478 = arith.constant 0 : i32
    %dma_start3A_479 = tpu.memref_slice %arg2[%dma_start3A_478, %multiple_of3A_466] : memref<16x1000000xf32, #tpu.memory_space<hbm>> -> memref<16x128xf32, #tpu.memory_space<hbm>>
    tpu.enqueue_dma source(%dma_start3A_479 : memref<16x128xf32, #tpu.memory_space<hbm>>) target(%dma_start3A_477 : memref<16x128xf32, #tpu.memory_space<vmem>>) target_semaphore(%arg8 : memref<!tpu.dma_semaphore, #tpu.memory_space<semaphore_mem>>)
    %slice3A_480 = vector.extract_strided_slice %get3A_319 {offsets = [8], sizes = [1], strides = [1]} : vector<16xi32> to vector<1xi32>
    %squeeze3A_481 = vector.extract %slice3A_480[0] : i32 from vector<1xi32>
    %shift_right_arithmetic3A_482 = arith.constant 7 : i32
    %shift_right_arithmetic3A_483 = arith.shrsi %squeeze3A_481, %shift_right_arithmetic3A_482 : i32
    %shift_left3A_484 = arith.constant 7 : i32
    %shift_left3A_485 = arith.shli %shift_right_arithmetic3A_483, %shift_left3A_484 : i32
    %multiple_of3A_486 = tpu.assume_multiple %shift_left3A_485, 128 : i32
    %dma_start3A_487 = arith.constant 1 : i32
    %dma_start3A_488 = arith.constant 0 : i32
    %dma_start3A_489 = arith.constant 1024 : i32
    %dma_start3A_490 = tpu.memref_slice %arg6[%dma_start3A_487, %dma_start3A_488, %dma_start3A_489] : memref<3x16x2048xf32, #tpu.memory_space<vmem>> -> memref<1x16x128xf32, #tpu.memory_space<vmem>>
    %dma_start3A_491 = tpu.memref_squeeze %dma_start3A_490 : memref<1x16x128xf32, #tpu.memory_space<vmem>> -> memref<16x128xf32, #tpu.memory_space<vmem>>
    %dma_start3A_492 = arith.constant 0 : i32
    %dma_start3A_493 = tpu.memref_slice %arg2[%dma_start3A_492, %multiple_of3A_486] : memref<16x1000000xf32, #tpu.memory_space<hbm>> -> memref<16x128xf32, #tpu.memory_space<hbm>>
    %dma_start3A_494 = arith.constant 0 : i32
    %dma_start3A_495 = arith.constant 1024 : i32
    %dma_start3A_496 = tpu.memref_slice %arg6[%dma_start3A_487, %dma_start3A_494, %dma_start3A_495] : memref<3x16x2048xf32, #tpu.memory_space<vmem>> -> memref<1x16x128xf32, #tpu.memory_space<vmem>>
    %dma_start3A_497 = tpu.memref_squeeze %dma_start3A_496 : memref<1x16x128xf32, #tpu.memory_space<vmem>> -> memref<16x128xf32, #tpu.memory_space<vmem>>
    %dma_start3A_498 = arith.constant 0 : i32
    %dma_start3A_499 = tpu.memref_slice %arg2[%dma_start3A_498, %multiple_of3A_486] : memref<16x1000000xf32, #tpu.memory_space<hbm>> -> memref<16x128xf32, #tpu.memory_space<hbm>>
    tpu.enqueue_dma source(%dma_start3A_499 : memref<16x128xf32, #tpu.memory_space<hbm>>) target(%dma_start3A_497 : memref<16x128xf32, #tpu.memory_space<vmem>>) target_semaphore(%arg8 : memref<!tpu.dma_semaphore, #tpu.memory_space<semaphore_mem>>)
    %slice3A_500 = vector.extract_strided_slice %get3A_319 {offsets = [9], sizes = [1], strides = [1]} : vector<16xi32> to vector<1xi32>
    %squeeze3A_501 = vector.extract %slice3A_500[0] : i32 from vector<1xi32>
    %shift_right_arithmetic3A_502 = arith.constant 7 : i32
    %shift_right_arithmetic3A_503 = arith.shrsi %squeeze3A_501, %shift_right_arithmetic3A_502 : i32
    %shift_left3A_504 = arith.constant 7 : i32
    %shift_left3A_505 = arith.shli %shift_right_arithmetic3A_503, %shift_left3A_504 : i32
    %multiple_of3A_506 = tpu.assume_multiple %shift_left3A_505, 128 : i32
    %dma_start3A_507 = arith.constant 1 : i32
    %dma_start3A_508 = arith.constant 0 : i32
    %dma_start3A_509 = arith.constant 1152 : i32
    %dma_start3A_510 = tpu.memref_slice %arg6[%dma_start3A_507, %dma_start3A_508, %dma_start3A_509] : memref<3x16x2048xf32, #tpu.memory_space<vmem>> -> memref<1x16x128xf32, #tpu.memory_space<vmem>>
    %dma_start3A_511 = tpu.memref_squeeze %dma_start3A_510 : memref<1x16x128xf32, #tpu.memory_space<vmem>> -> memref<16x128xf32, #tpu.memory_space<vmem>>
    %dma_start3A_512 = arith.constant 0 : i32
    %dma_start3A_513 = tpu.memref_slice %arg2[%dma_start3A_512, %multiple_of3A_506] : memref<16x1000000xf32, #tpu.memory_space<hbm>> -> memref<16x128xf32, #tpu.memory_space<hbm>>
    %dma_start3A_514 = arith.constant 0 : i32
    %dma_start3A_515 = arith.constant 1152 : i32
    %dma_start3A_516 = tpu.memref_slice %arg6[%dma_start3A_507, %dma_start3A_514, %dma_start3A_515] : memref<3x16x2048xf32, #tpu.memory_space<vmem>> -> memref<1x16x128xf32, #tpu.memory_space<vmem>>
    %dma_start3A_517 = tpu.memref_squeeze %dma_start3A_516 : memref<1x16x128xf32, #tpu.memory_space<vmem>> -> memref<16x128xf32, #tpu.memory_space<vmem>>
    %dma_start3A_518 = arith.constant 0 : i32
    %dma_start3A_519 = tpu.memref_slice %arg2[%dma_start3A_518, %multiple_of3A_506] : memref<16x1000000xf32, #tpu.memory_space<hbm>> -> memref<16x128xf32, #tpu.memory_space<hbm>>
    tpu.enqueue_dma source(%dma_start3A_519 : memref<16x128xf32, #tpu.memory_space<hbm>>) target(%dma_start3A_517 : memref<16x128xf32, #tpu.memory_space<vmem>>) target_semaphore(%arg8 : memref<!tpu.dma_semaphore, #tpu.memory_space<semaphore_mem>>)
    %slice3A_520 = vector.extract_strided_slice %get3A_319 {offsets = [10], sizes = [1], strides = [1]} : vector<16xi32> to vector<1xi32>
    %squeeze3A_521 = vector.extract %slice3A_520[0] : i32 from vector<1xi32>
    %shift_right_arithmetic3A_522 = arith.constant 7 : i32
    %shift_right_arithmetic3A_523 = arith.shrsi %squeeze3A_521, %shift_right_arithmetic3A_522 : i32
    %shift_left3A_524 = arith.constant 7 : i32
    %shift_left3A_525 = arith.shli %shift_right_arithmetic3A_523, %shift_left3A_524 : i32
    %multiple_of3A_526 = tpu.assume_multiple %shift_left3A_525, 128 : i32
    %dma_start3A_527 = arith.constant 1 : i32
    %dma_start3A_528 = arith.constant 0 : i32
    %dma_start3A_529 = arith.constant 1280 : i32
    %dma_start3A_530 = tpu.memref_slice %arg6[%dma_start3A_527, %dma_start3A_528, %dma_start3A_529] : memref<3x16x2048xf32, #tpu.memory_space<vmem>> -> memref<1x16x128xf32, #tpu.memory_space<vmem>>
    %dma_start3A_531 = tpu.memref_squeeze %dma_start3A_530 : memref<1x16x128xf32, #tpu.memory_space<vmem>> -> memref<16x128xf32, #tpu.memory_space<vmem>>
    %dma_start3A_532 = arith.constant 0 : i32
    %dma_start3A_533 = tpu.memref_slice %arg2[%dma_start3A_532, %multiple_of3A_526] : memref<16x1000000xf32, #tpu.memory_space<hbm>> -> memref<16x128xf32, #tpu.memory_space<hbm>>
    %dma_start3A_534 = arith.constant 0 : i32
    %dma_start3A_535 = arith.constant 1280 : i32
    %dma_start3A_536 = tpu.memref_slice %arg6[%dma_start3A_527, %dma_start3A_534, %dma_start3A_535] : memref<3x16x2048xf32, #tpu.memory_space<vmem>> -> memref<1x16x128xf32, #tpu.memory_space<vmem>>
    %dma_start3A_537 = tpu.memref_squeeze %dma_start3A_536 : memref<1x16x128xf32, #tpu.memory_space<vmem>> -> memref<16x128xf32, #tpu.memory_space<vmem>>
    %dma_start3A_538 = arith.constant 0 : i32
    %dma_start3A_539 = tpu.memref_slice %arg2[%dma_start3A_538, %multiple_of3A_526] : memref<16x1000000xf32, #tpu.memory_space<hbm>> -> memref<16x128xf32, #tpu.memory_space<hbm>>
    tpu.enqueue_dma source(%dma_start3A_539 : memref<16x128xf32, #tpu.memory_space<hbm>>) target(%dma_start3A_537 : memref<16x128xf32, #tpu.memory_space<vmem>>) target_semaphore(%arg8 : memref<!tpu.dma_semaphore, #tpu.memory_space<semaphore_mem>>)
    %slice3A_540 = vector.extract_strided_slice %get3A_319 {offsets = [11], sizes = [1], strides = [1]} : vector<16xi32> to vector<1xi32>
    %squeeze3A_541 = vector.extract %slice3A_540[0] : i32 from vector<1xi32>
    %shift_right_arithmetic3A_542 = arith.constant 7 : i32
    %shift_right_arithmetic3A_543 = arith.shrsi %squeeze3A_541, %shift_right_arithmetic3A_542 : i32
    %shift_left3A_544 = arith.constant 7 : i32
    %shift_left3A_545 = arith.shli %shift_right_arithmetic3A_543, %shift_left3A_544 : i32
    %multiple_of3A_546 = tpu.assume_multiple %shift_left3A_545, 128 : i32
    %dma_start3A_547 = arith.constant 1 : i32
    %dma_start3A_548 = arith.constant 0 : i32
    %dma_start3A_549 = arith.constant 1408 : i32
    %dma_start3A_550 = tpu.memref_slice %arg6[%dma_start3A_547, %dma_start3A_548, %dma_start3A_549] : memref<3x16x2048xf32, #tpu.memory_space<vmem>> -> memref<1x16x128xf32, #tpu.memory_space<vmem>>
    %dma_start3A_551 = tpu.memref_squeeze %dma_start3A_550 : memref<1x16x128xf32, #tpu.memory_space<vmem>> -> memref<16x128xf32, #tpu.memory_space<vmem>>
    %dma_start3A_552 = arith.constant 0 : i32
    %dma_start3A_553 = tpu.memref_slice %arg2[%dma_start3A_552, %multiple_of3A_546] : memref<16x1000000xf32, #tpu.memory_space<hbm>> -> memref<16x128xf32, #tpu.memory_space<hbm>>
    %dma_start3A_554 = arith.constant 0 : i32
    %dma_start3A_555 = arith.constant 1408 : i32
    %dma_start3A_556 = tpu.memref_slice %arg6[%dma_start3A_547, %dma_start3A_554, %dma_start3A_555] : memref<3x16x2048xf32, #tpu.memory_space<vmem>> -> memref<1x16x128xf32, #tpu.memory_space<vmem>>
    %dma_start3A_557 = tpu.memref_squeeze %dma_start3A_556 : memref<1x16x128xf32, #tpu.memory_space<vmem>> -> memref<16x128xf32, #tpu.memory_space<vmem>>
    %dma_start3A_558 = arith.constant 0 : i32
    %dma_start3A_559 = tpu.memref_slice %arg2[%dma_start3A_558, %multiple_of3A_546] : memref<16x1000000xf32, #tpu.memory_space<hbm>> -> memref<16x128xf32, #tpu.memory_space<hbm>>
    tpu.enqueue_dma source(%dma_start3A_559 : memref<16x128xf32, #tpu.memory_space<hbm>>) target(%dma_start3A_557 : memref<16x128xf32, #tpu.memory_space<vmem>>) target_semaphore(%arg8 : memref<!tpu.dma_semaphore, #tpu.memory_space<semaphore_mem>>)
    %slice3A_560 = vector.extract_strided_slice %get3A_319 {offsets = [12], sizes = [1], strides = [1]} : vector<16xi32> to vector<1xi32>
    %squeeze3A_561 = vector.extract %slice3A_560[0] : i32 from vector<1xi32>
    %shift_right_arithmetic3A_562 = arith.constant 7 : i32
    %shift_right_arithmetic3A_563 = arith.shrsi %squeeze3A_561, %shift_right_arithmetic3A_562 : i32
    %shift_left3A_564 = arith.constant 7 : i32
    %shift_left3A_565 = arith.shli %shift_right_arithmetic3A_563, %shift_left3A_564 : i32
    %multiple_of3A_566 = tpu.assume_multiple %shift_left3A_565, 128 : i32
    %dma_start3A_567 = arith.constant 1 : i32
    %dma_start3A_568 = arith.constant 0 : i32
    %dma_start3A_569 = arith.constant 1536 : i32
    %dma_start3A_570 = tpu.memref_slice %arg6[%dma_start3A_567, %dma_start3A_568, %dma_start3A_569] : memref<3x16x2048xf32, #tpu.memory_space<vmem>> -> memref<1x16x128xf32, #tpu.memory_space<vmem>>
    %dma_start3A_571 = tpu.memref_squeeze %dma_start3A_570 : memref<1x16x128xf32, #tpu.memory_space<vmem>> -> memref<16x128xf32, #tpu.memory_space<vmem>>
    %dma_start3A_572 = arith.constant 0 : i32
    %dma_start3A_573 = tpu.memref_slice %arg2[%dma_start3A_572, %multiple_of3A_566] : memref<16x1000000xf32, #tpu.memory_space<hbm>> -> memref<16x128xf32, #tpu.memory_space<hbm>>
    %dma_start3A_574 = arith.constant 0 : i32
    %dma_start3A_575 = arith.constant 1536 : i32
    %dma_start3A_576 = tpu.memref_slice %arg6[%dma_start3A_567, %dma_start3A_574, %dma_start3A_575] : memref<3x16x2048xf32, #tpu.memory_space<vmem>> -> memref<1x16x128xf32, #tpu.memory_space<vmem>>
    %dma_start3A_577 = tpu.memref_squeeze %dma_start3A_576 : memref<1x16x128xf32, #tpu.memory_space<vmem>> -> memref<16x128xf32, #tpu.memory_space<vmem>>
    %dma_start3A_578 = arith.constant 0 : i32
    %dma_start3A_579 = tpu.memref_slice %arg2[%dma_start3A_578, %multiple_of3A_566] : memref<16x1000000xf32, #tpu.memory_space<hbm>> -> memref<16x128xf32, #tpu.memory_space<hbm>>
    tpu.enqueue_dma source(%dma_start3A_579 : memref<16x128xf32, #tpu.memory_space<hbm>>) target(%dma_start3A_577 : memref<16x128xf32, #tpu.memory_space<vmem>>) target_semaphore(%arg8 : memref<!tpu.dma_semaphore, #tpu.memory_space<semaphore_mem>>)
    %slice3A_580 = vector.extract_strided_slice %get3A_319 {offsets = [13], sizes = [1], strides = [1]} : vector<16xi32> to vector<1xi32>
    %squeeze3A_581 = vector.extract %slice3A_580[0] : i32 from vector<1xi32>
    %shift_right_arithmetic3A_582 = arith.constant 7 : i32
    %shift_right_arithmetic3A_583 = arith.shrsi %squeeze3A_581, %shift_right_arithmetic3A_582 : i32
    %shift_left3A_584 = arith.constant 7 : i32
    %shift_left3A_585 = arith.shli %shift_right_arithmetic3A_583, %shift_left3A_584 : i32
    %multiple_of3A_586 = tpu.assume_multiple %shift_left3A_585, 128 : i32
    %dma_start3A_587 = arith.constant 1 : i32
    %dma_start3A_588 = arith.constant 0 : i32
    %dma_start3A_589 = arith.constant 1664 : i32
    %dma_start3A_590 = tpu.memref_slice %arg6[%dma_start3A_587, %dma_start3A_588, %dma_start3A_589] : memref<3x16x2048xf32, #tpu.memory_space<vmem>> -> memref<1x16x128xf32, #tpu.memory_space<vmem>>
    %dma_start3A_591 = tpu.memref_squeeze %dma_start3A_590 : memref<1x16x128xf32, #tpu.memory_space<vmem>> -> memref<16x128xf32, #tpu.memory_space<vmem>>
    %dma_start3A_592 = arith.constant 0 : i32
    %dma_start3A_593 = tpu.memref_slice %arg2[%dma_start3A_592, %multiple_of3A_586] : memref<16x1000000xf32, #tpu.memory_space<hbm>> -> memref<16x128xf32, #tpu.memory_space<hbm>>
    %dma_start3A_594 = arith.constant 0 : i32
    %dma_start3A_595 = arith.constant 1664 : i32
    %dma_start3A_596 = tpu.memref_slice %arg6[%dma_start3A_587, %dma_start3A_594, %dma_start3A_595] : memref<3x16x2048xf32, #tpu.memory_space<vmem>> -> memref<1x16x128xf32, #tpu.memory_space<vmem>>
    %dma_start3A_597 = tpu.memref_squeeze %dma_start3A_596 : memref<1x16x128xf32, #tpu.memory_space<vmem>> -> memref<16x128xf32, #tpu.memory_space<vmem>>
    %dma_start3A_598 = arith.constant 0 : i32
    %dma_start3A_599 = tpu.memref_slice %arg2[%dma_start3A_598, %multiple_of3A_586] : memref<16x1000000xf32, #tpu.memory_space<hbm>> -> memref<16x128xf32, #tpu.memory_space<hbm>>
    tpu.enqueue_dma source(%dma_start3A_599 : memref<16x128xf32, #tpu.memory_space<hbm>>) target(%dma_start3A_597 : memref<16x128xf32, #tpu.memory_space<vmem>>) target_semaphore(%arg8 : memref<!tpu.dma_semaphore, #tpu.memory_space<semaphore_mem>>)
    %slice3A_600 = vector.extract_strided_slice %get3A_319 {offsets = [14], sizes = [1], strides = [1]} : vector<16xi32> to vector<1xi32>
    %squeeze3A_601 = vector.extract %slice3A_600[0] : i32 from vector<1xi32>
    %shift_right_arithmetic3A_602 = arith.constant 7 : i32
    %shift_right_arithmetic3A_603 = arith.shrsi %squeeze3A_601, %shift_right_arithmetic3A_602 : i32
    %shift_left3A_604 = arith.constant 7 : i32
    %shift_left3A_605 = arith.shli %shift_right_arithmetic3A_603, %shift_left3A_604 : i32
    %multiple_of3A_606 = tpu.assume_multiple %shift_left3A_605, 128 : i32
    %dma_start3A_607 = arith.constant 1 : i32
    %dma_start3A_608 = arith.constant 0 : i32
    %dma_start3A_609 = arith.constant 1792 : i32
    %dma_start3A_610 = tpu.memref_slice %arg6[%dma_start3A_607, %dma_start3A_608, %dma_start3A_609] : memref<3x16x2048xf32, #tpu.memory_space<vmem>> -> memref<1x16x128xf32, #tpu.memory_space<vmem>>
    %dma_start3A_611 = tpu.memref_squeeze %dma_start3A_610 : memref<1x16x128xf32, #tpu.memory_space<vmem>> -> memref<16x128xf32, #tpu.memory_space<vmem>>
    %dma_start3A_612 = arith.constant 0 : i32
    %dma_start3A_613 = tpu.memref_slice %arg2[%dma_start3A_612, %multiple_of3A_606] : memref<16x1000000xf32, #tpu.memory_space<hbm>> -> memref<16x128xf32, #tpu.memory_space<hbm>>
    %dma_start3A_614 = arith.constant 0 : i32
    %dma_start3A_615 = arith.constant 1792 : i32
    %dma_start3A_616 = tpu.memref_slice %arg6[%dma_start3A_607, %dma_start3A_614, %dma_start3A_615] : memref<3x16x2048xf32, #tpu.memory_space<vmem>> -> memref<1x16x128xf32, #tpu.memory_space<vmem>>
    %dma_start3A_617 = tpu.memref_squeeze %dma_start3A_616 : memref<1x16x128xf32, #tpu.memory_space<vmem>> -> memref<16x128xf32, #tpu.memory_space<vmem>>
    %dma_start3A_618 = arith.constant 0 : i32
    %dma_start3A_619 = tpu.memref_slice %arg2[%dma_start3A_618, %multiple_of3A_606] : memref<16x1000000xf32, #tpu.memory_space<hbm>> -> memref<16x128xf32, #tpu.memory_space<hbm>>
    tpu.enqueue_dma source(%dma_start3A_619 : memref<16x128xf32, #tpu.memory_space<hbm>>) target(%dma_start3A_617 : memref<16x128xf32, #tpu.memory_space<vmem>>) target_semaphore(%arg8 : memref<!tpu.dma_semaphore, #tpu.memory_space<semaphore_mem>>)
    %slice3A_620 = vector.extract_strided_slice %get3A_319 {offsets = [15], sizes = [1], strides = [1]} : vector<16xi32> to vector<1xi32>
    %squeeze3A_621 = vector.extract %slice3A_620[0] : i32 from vector<1xi32>
    %shift_right_arithmetic3A_622 = arith.constant 7 : i32
    %shift_right_arithmetic3A_623 = arith.shrsi %squeeze3A_621, %shift_right_arithmetic3A_622 : i32
    %shift_left3A_624 = arith.constant 7 : i32
    %shift_left3A_625 = arith.shli %shift_right_arithmetic3A_623, %shift_left3A_624 : i32
    %multiple_of3A_626 = tpu.assume_multiple %shift_left3A_625, 128 : i32
    %dma_start3A_627 = arith.constant 1 : i32
    %dma_start3A_628 = arith.constant 0 : i32
    %dma_start3A_629 = arith.constant 1920 : i32
    %dma_start3A_630 = tpu.memref_slice %arg6[%dma_start3A_627, %dma_start3A_628, %dma_start3A_629] : memref<3x16x2048xf32, #tpu.memory_space<vmem>> -> memref<1x16x128xf32, #tpu.memory_space<vmem>>
    %dma_start3A_631 = tpu.memref_squeeze %dma_start3A_630 : memref<1x16x128xf32, #tpu.memory_space<vmem>> -> memref<16x128xf32, #tpu.memory_space<vmem>>
    %dma_start3A_632 = arith.constant 0 : i32
    %dma_start3A_633 = tpu.memref_slice %arg2[%dma_start3A_632, %multiple_of3A_626] : memref<16x1000000xf32, #tpu.memory_space<hbm>> -> memref<16x128xf32, #tpu.memory_space<hbm>>
    %dma_start3A_634 = arith.constant 0 : i32
    %dma_start3A_635 = arith.constant 1920 : i32
    %dma_start3A_636 = tpu.memref_slice %arg6[%dma_start3A_627, %dma_start3A_634, %dma_start3A_635] : memref<3x16x2048xf32, #tpu.memory_space<vmem>> -> memref<1x16x128xf32, #tpu.memory_space<vmem>>
    %dma_start3A_637 = tpu.memref_squeeze %dma_start3A_636 : memref<1x16x128xf32, #tpu.memory_space<vmem>> -> memref<16x128xf32, #tpu.memory_space<vmem>>
    %dma_start3A_638 = arith.constant 0 : i32
    %dma_start3A_639 = tpu.memref_slice %arg2[%dma_start3A_638, %multiple_of3A_626] : memref<16x1000000xf32, #tpu.memory_space<hbm>> -> memref<16x128xf32, #tpu.memory_space<hbm>>
    tpu.enqueue_dma source(%dma_start3A_639 : memref<16x128xf32, #tpu.memory_space<hbm>>) target(%dma_start3A_637 : memref<16x128xf32, #tpu.memory_space<vmem>>) target_semaphore(%arg8 : memref<!tpu.dma_semaphore, #tpu.memory_space<semaphore_mem>>)
    %scan3A = arith.constant 0 : i32
    %scan3A_640 = arith.constant 2 : i32
    %scan3A_641 = arith.constant 32 : i32
    %scan3A_642 = arith.addi %scan3A_640, %scan3A_641 : i32
    %scan3A_643 = arith.constant 1 : i32
    scf.for %scan3A_645 = %scan3A_640 to %scan3A_642 step %scan3A_643  : i32 {
      %lt3A = arith.constant 32 : i32
      %lt3A_646 = arith.cmpi slt, %scan3A_645, %lt3A : i32
      %convert_element_type3A = arith.extui %lt3A_646 : i1 to i32
      %cond3A = arith.constant 0 : i32
      %cond3A_647 = arith.cmpi ne, %convert_element_type3A, %cond3A : i32
      scf.if %cond3A_647 {
        %rem3A_899 = arith.constant 3 : i32
        %rem3A_900 = arith.remsi %scan3A_645, %rem3A_899 : i32
        %mul3A_901 = arith.constant 16 : i32
        %mul3A_902 = arith.muli %scan3A_645, %mul3A_901 : i32
        %get3A_903 = arith.index_cast %mul3A_902 : i32 to index
        %get3A_904 = tpu.vector_load %arg5[%get3A_903] {strides = array<i32>} : memref<512xi32, #tpu.memory_space<vmem>>, vector<16xi32>,
        %slice3A_905 = vector.extract_strided_slice %get3A_904 {offsets = [0], sizes = [1], strides = [1]} : vector<16xi32> to vector<1xi32>
        %squeeze3A_906 = vector.extract %slice3A_905[0] : i32 from vector<1xi32>
        %shift_right_arithmetic3A_907 = arith.constant 7 : i32
        %shift_right_arithmetic3A_908 = arith.shrsi %squeeze3A_906, %shift_right_arithmetic3A_907 : i32
        %shift_left3A_909 = arith.constant 7 : i32
        %shift_left3A_910 = arith.shli %shift_right_arithmetic3A_908, %shift_left3A_909 : i32
        %multiple_of3A_911 = tpu.assume_multiple %shift_left3A_910, 128 : i32
        %dma_start3A_912 = arith.constant 0 : i32
        %dma_start3A_913 = arith.constant 0 : i32
        %dma_start3A_914 = tpu.memref_slice %arg6[%rem3A_900, %dma_start3A_912, %dma_start3A_913] : memref<3x16x2048xf32, #tpu.memory_space<vmem>> -> memref<1x16x128xf32, #tpu.memory_space<vmem>>
        %dma_start3A_915 = tpu.memref_squeeze %dma_start3A_914 : memref<1x16x128xf32, #tpu.memory_space<vmem>> -> memref<16x128xf32, #tpu.memory_space<vmem>>
        %dma_start3A_916 = arith.constant 0 : i32
        %dma_start3A_917 = tpu.memref_slice %arg2[%dma_start3A_916, %multiple_of3A_911] : memref<16x1000000xf32, #tpu.memory_space<hbm>> -> memref<16x128xf32, #tpu.memory_space<hbm>>
        %dma_start3A_918 = arith.constant 0 : i32
        %dma_start3A_919 = arith.constant 0 : i32
        %dma_start3A_920 = tpu.memref_slice %arg6[%rem3A_900, %dma_start3A_918, %dma_start3A_919] : memref<3x16x2048xf32, #tpu.memory_space<vmem>> -> memref<1x16x128xf32, #tpu.memory_space<vmem>>
        %dma_start3A_921 = tpu.memref_squeeze %dma_start3A_920 : memref<1x16x128xf32, #tpu.memory_space<vmem>> -> memref<16x128xf32, #tpu.memory_space<vmem>>
        %dma_start3A_922 = arith.constant 0 : i32
        %dma_start3A_923 = tpu.memref_slice %arg2[%dma_start3A_922, %multiple_of3A_911] : memref<16x1000000xf32, #tpu.memory_space<hbm>> -> memref<16x128xf32, #tpu.memory_space<hbm>>
        tpu.enqueue_dma source(%dma_start3A_923 : memref<16x128xf32, #tpu.memory_space<hbm>>) target(%dma_start3A_921 : memref<16x128xf32, #tpu.memory_space<vmem>>) target_semaphore(%arg8 : memref<!tpu.dma_semaphore, #tpu.memory_space<semaphore_mem>>)
        %slice3A_924 = vector.extract_strided_slice %get3A_904 {offsets = [1], sizes = [1], strides = [1]} : vector<16xi32> to vector<1xi32>
        %squeeze3A_925 = vector.extract %slice3A_924[0] : i32 from vector<1xi32>
        %shift_right_arithmetic3A_926 = arith.constant 7 : i32
        %shift_right_arithmetic3A_927 = arith.shrsi %squeeze3A_925, %shift_right_arithmetic3A_926 : i32
        %shift_left3A_928 = arith.constant 7 : i32
        %shift_left3A_929 = arith.shli %shift_right_arithmetic3A_927, %shift_left3A_928 : i32
        %multiple_of3A_930 = tpu.assume_multiple %shift_left3A_929, 128 : i32
        %dma_start3A_931 = arith.constant 0 : i32
        %dma_start3A_932 = arith.constant 128 : i32
        %dma_start3A_933 = tpu.memref_slice %arg6[%rem3A_900, %dma_start3A_931, %dma_start3A_932] : memref<3x16x2048xf32, #tpu.memory_space<vmem>> -> memref<1x16x128xf32, #tpu.memory_space<vmem>>
        %dma_start3A_934 = tpu.memref_squeeze %dma_start3A_933 : memref<1x16x128xf32, #tpu.memory_space<vmem>> -> memref<16x128xf32, #tpu.memory_space<vmem>>
        %dma_start3A_935 = arith.constant 0 : i32
        %dma_start3A_936 = tpu.memref_slice %arg2[%dma_start3A_935, %multiple_of3A_930] : memref<16x1000000xf32, #tpu.memory_space<hbm>> -> memref<16x128xf32, #tpu.memory_space<hbm>>
        %dma_start3A_937 = arith.constant 0 : i32
        %dma_start3A_938 = arith.constant 128 : i32
        %dma_start3A_939 = tpu.memref_slice %arg6[%rem3A_900, %dma_start3A_937, %dma_start3A_938] : memref<3x16x2048xf32, #tpu.memory_space<vmem>> -> memref<1x16x128xf32, #tpu.memory_space<vmem>>
        %dma_start3A_940 = tpu.memref_squeeze %dma_start3A_939 : memref<1x16x128xf32, #tpu.memory_space<vmem>> -> memref<16x128xf32, #tpu.memory_space<vmem>>
        %dma_start3A_941 = arith.constant 0 : i32
        %dma_start3A_942 = tpu.memref_slice %arg2[%dma_start3A_941, %multiple_of3A_930] : memref<16x1000000xf32, #tpu.memory_space<hbm>> -> memref<16x128xf32, #tpu.memory_space<hbm>>
        tpu.enqueue_dma source(%dma_start3A_942 : memref<16x128xf32, #tpu.memory_space<hbm>>) target(%dma_start3A_940 : memref<16x128xf32, #tpu.memory_space<vmem>>) target_semaphore(%arg8 : memref<!tpu.dma_semaphore, #tpu.memory_space<semaphore_mem>>)
        %slice3A_943 = vector.extract_strided_slice %get3A_904 {offsets = [2], sizes = [1], strides = [1]} : vector<16xi32> to vector<1xi32>
        %squeeze3A_944 = vector.extract %slice3A_943[0] : i32 from vector<1xi32>
        %shift_right_arithmetic3A_945 = arith.constant 7 : i32
        %shift_right_arithmetic3A_946 = arith.shrsi %squeeze3A_944, %shift_right_arithmetic3A_945 : i32
        %shift_left3A_947 = arith.constant 7 : i32
        %shift_left3A_948 = arith.shli %shift_right_arithmetic3A_946, %shift_left3A_947 : i32
        %multiple_of3A_949 = tpu.assume_multiple %shift_left3A_948, 128 : i32
        %dma_start3A_950 = arith.constant 0 : i32
        %dma_start3A_951 = arith.constant 256 : i32
        %dma_start3A_952 = tpu.memref_slice %arg6[%rem3A_900, %dma_start3A_950, %dma_start3A_951] : memref<3x16x2048xf32, #tpu.memory_space<vmem>> -> memref<1x16x128xf32, #tpu.memory_space<vmem>>
        %dma_start3A_953 = tpu.memref_squeeze %dma_start3A_952 : memref<1x16x128xf32, #tpu.memory_space<vmem>> -> memref<16x128xf32, #tpu.memory_space<vmem>>
        %dma_start3A_954 = arith.constant 0 : i32
        %dma_start3A_955 = tpu.memref_slice %arg2[%dma_start3A_954, %multiple_of3A_949] : memref<16x1000000xf32, #tpu.memory_space<hbm>> -> memref<16x128xf32, #tpu.memory_space<hbm>>
        %dma_start3A_956 = arith.constant 0 : i32
        %dma_start3A_957 = arith.constant 256 : i32
        %dma_start3A_958 = tpu.memref_slice %arg6[%rem3A_900, %dma_start3A_956, %dma_start3A_957] : memref<3x16x2048xf32, #tpu.memory_space<vmem>> -> memref<1x16x128xf32, #tpu.memory_space<vmem>>
        %dma_start3A_959 = tpu.memref_squeeze %dma_start3A_958 : memref<1x16x128xf32, #tpu.memory_space<vmem>> -> memref<16x128xf32, #tpu.memory_space<vmem>>
        %dma_start3A_960 = arith.constant 0 : i32
        %dma_start3A_961 = tpu.memref_slice %arg2[%dma_start3A_960, %multiple_of3A_949] : memref<16x1000000xf32, #tpu.memory_space<hbm>> -> memref<16x128xf32, #tpu.memory_space<hbm>>
        tpu.enqueue_dma source(%dma_start3A_961 : memref<16x128xf32, #tpu.memory_space<hbm>>) target(%dma_start3A_959 : memref<16x128xf32, #tpu.memory_space<vmem>>) target_semaphore(%arg8 : memref<!tpu.dma_semaphore, #tpu.memory_space<semaphore_mem>>)
        %slice3A_962 = vector.extract_strided_slice %get3A_904 {offsets = [3], sizes = [1], strides = [1]} : vector<16xi32> to vector<1xi32>
        %squeeze3A_963 = vector.extract %slice3A_962[0] : i32 from vector<1xi32>
        %shift_right_arithmetic3A_964 = arith.constant 7 : i32
        %shift_right_arithmetic3A_965 = arith.shrsi %squeeze3A_963, %shift_right_arithmetic3A_964 : i32
        %shift_left3A_966 = arith.constant 7 : i32
        %shift_left3A_967 = arith.shli %shift_right_arithmetic3A_965, %shift_left3A_966 : i32
        %multiple_of3A_968 = tpu.assume_multiple %shift_left3A_967, 128 : i32
        %dma_start3A_969 = arith.constant 0 : i32
        %dma_start3A_970 = arith.constant 384 : i32
        %dma_start3A_971 = tpu.memref_slice %arg6[%rem3A_900, %dma_start3A_969, %dma_start3A_970] : memref<3x16x2048xf32, #tpu.memory_space<vmem>> -> memref<1x16x128xf32, #tpu.memory_space<vmem>>
        %dma_start3A_972 = tpu.memref_squeeze %dma_start3A_971 : memref<1x16x128xf32, #tpu.memory_space<vmem>> -> memref<16x128xf32, #tpu.memory_space<vmem>>
        %dma_start3A_973 = arith.constant 0 : i32
        %dma_start3A_974 = tpu.memref_slice %arg2[%dma_start3A_973, %multiple_of3A_968] : memref<16x1000000xf32, #tpu.memory_space<hbm>> -> memref<16x128xf32, #tpu.memory_space<hbm>>
        %dma_start3A_975 = arith.constant 0 : i32
        %dma_start3A_976 = arith.constant 384 : i32
        %dma_start3A_977 = tpu.memref_slice %arg6[%rem3A_900, %dma_start3A_975, %dma_start3A_976] : memref<3x16x2048xf32, #tpu.memory_space<vmem>> -> memref<1x16x128xf32, #tpu.memory_space<vmem>>
        %dma_start3A_978 = tpu.memref_squeeze %dma_start3A_977 : memref<1x16x128xf32, #tpu.memory_space<vmem>> -> memref<16x128xf32, #tpu.memory_space<vmem>>
        %dma_start3A_979 = arith.constant 0 : i32
        %dma_start3A_980 = tpu.memref_slice %arg2[%dma_start3A_979, %multiple_of3A_968] : memref<16x1000000xf32, #tpu.memory_space<hbm>> -> memref<16x128xf32, #tpu.memory_space<hbm>>
        tpu.enqueue_dma source(%dma_start3A_980 : memref<16x128xf32, #tpu.memory_space<hbm>>) target(%dma_start3A_978 : memref<16x128xf32, #tpu.memory_space<vmem>>) target_semaphore(%arg8 : memref<!tpu.dma_semaphore, #tpu.memory_space<semaphore_mem>>)
        %slice3A_981 = vector.extract_strided_slice %get3A_904 {offsets = [4], sizes = [1], strides = [1]} : vector<16xi32> to vector<1xi32>
        %squeeze3A_982 = vector.extract %slice3A_981[0] : i32 from vector<1xi32>
        %shift_right_arithmetic3A_983 = arith.constant 7 : i32
        %shift_right_arithmetic3A_984 = arith.shrsi %squeeze3A_982, %shift_right_arithmetic3A_983 : i32
        %shift_left3A_985 = arith.constant 7 : i32
        %shift_left3A_986 = arith.shli %shift_right_arithmetic3A_984, %shift_left3A_985 : i32
        %multiple_of3A_987 = tpu.assume_multiple %shift_left3A_986, 128 : i32
        %dma_start3A_988 = arith.constant 0 : i32
        %dma_start3A_989 = arith.constant 512 : i32
        %dma_start3A_990 = tpu.memref_slice %arg6[%rem3A_900, %dma_start3A_988, %dma_start3A_989] : memref<3x16x2048xf32, #tpu.memory_space<vmem>> -> memref<1x16x128xf32, #tpu.memory_space<vmem>>
        %dma_start3A_991 = tpu.memref_squeeze %dma_start3A_990 : memref<1x16x128xf32, #tpu.memory_space<vmem>> -> memref<16x128xf32, #tpu.memory_space<vmem>>
        %dma_start3A_992 = arith.constant 0 : i32
        %dma_start3A_993 = tpu.memref_slice %arg2[%dma_start3A_992, %multiple_of3A_987] : memref<16x1000000xf32, #tpu.memory_space<hbm>> -> memref<16x128xf32, #tpu.memory_space<hbm>>
        %dma_start3A_994 = arith.constant 0 : i32
        %dma_start3A_995 = arith.constant 512 : i32
        %dma_start3A_996 = tpu.memref_slice %arg6[%rem3A_900, %dma_start3A_994, %dma_start3A_995] : memref<3x16x2048xf32, #tpu.memory_space<vmem>> -> memref<1x16x128xf32, #tpu.memory_space<vmem>>
        %dma_start3A_997 = tpu.memref_squeeze %dma_start3A_996 : memref<1x16x128xf32, #tpu.memory_space<vmem>> -> memref<16x128xf32, #tpu.memory_space<vmem>>
        %dma_start3A_998 = arith.constant 0 : i32
        %dma_start3A_999 = tpu.memref_slice %arg2[%dma_start3A_998, %multiple_of3A_987] : memref<16x1000000xf32, #tpu.memory_space<hbm>> -> memref<16x128xf32, #tpu.memory_space<hbm>>
        tpu.enqueue_dma source(%dma_start3A_999 : memref<16x128xf32, #tpu.memory_space<hbm>>) target(%dma_start3A_997 : memref<16x128xf32, #tpu.memory_space<vmem>>) target_semaphore(%arg8 : memref<!tpu.dma_semaphore, #tpu.memory_space<semaphore_mem>>)
        %slice3A_1000 = vector.extract_strided_slice %get3A_904 {offsets = [5], sizes = [1], strides = [1]} : vector<16xi32> to vector<1xi32>
        %squeeze3A_1001 = vector.extract %slice3A_1000[0] : i32 from vector<1xi32>
        %shift_right_arithmetic3A_1002 = arith.constant 7 : i32
        %shift_right_arithmetic3A_1003 = arith.shrsi %squeeze3A_1001, %shift_right_arithmetic3A_1002 : i32
        %shift_left3A_1004 = arith.constant 7 : i32
        %shift_left3A_1005 = arith.shli %shift_right_arithmetic3A_1003, %shift_left3A_1004 : i32
        %multiple_of3A_1006 = tpu.assume_multiple %shift_left3A_1005, 128 : i32
        %dma_start3A_1007 = arith.constant 0 : i32
        %dma_start3A_1008 = arith.constant 640 : i32
        %dma_start3A_1009 = tpu.memref_slice %arg6[%rem3A_900, %dma_start3A_1007, %dma_start3A_1008] : memref<3x16x2048xf32, #tpu.memory_space<vmem>> -> memref<1x16x128xf32, #tpu.memory_space<vmem>>
        %dma_start3A_1010 = tpu.memref_squeeze %dma_start3A_1009 : memref<1x16x128xf32, #tpu.memory_space<vmem>> -> memref<16x128xf32, #tpu.memory_space<vmem>>
        %dma_start3A_1011 = arith.constant 0 : i32
        %dma_start3A_1012 = tpu.memref_slice %arg2[%dma_start3A_1011, %multiple_of3A_1006] : memref<16x1000000xf32, #tpu.memory_space<hbm>> -> memref<16x128xf32, #tpu.memory_space<hbm>>
        %dma_start3A_1013 = arith.constant 0 : i32
        %dma_start3A_1014 = arith.constant 640 : i32
        %dma_start3A_1015 = tpu.memref_slice %arg6[%rem3A_900, %dma_start3A_1013, %dma_start3A_1014] : memref<3x16x2048xf32, #tpu.memory_space<vmem>> -> memref<1x16x128xf32, #tpu.memory_space<vmem>>
        %dma_start3A_1016 = tpu.memref_squeeze %dma_start3A_1015 : memref<1x16x128xf32, #tpu.memory_space<vmem>> -> memref<16x128xf32, #tpu.memory_space<vmem>>
        %dma_start3A_1017 = arith.constant 0 : i32
        %dma_start3A_1018 = tpu.memref_slice %arg2[%dma_start3A_1017, %multiple_of3A_1006] : memref<16x1000000xf32, #tpu.memory_space<hbm>> -> memref<16x128xf32, #tpu.memory_space<hbm>>
        tpu.enqueue_dma source(%dma_start3A_1018 : memref<16x128xf32, #tpu.memory_space<hbm>>) target(%dma_start3A_1016 : memref<16x128xf32, #tpu.memory_space<vmem>>) target_semaphore(%arg8 : memref<!tpu.dma_semaphore, #tpu.memory_space<semaphore_mem>>)
        %slice3A_1019 = vector.extract_strided_slice %get3A_904 {offsets = [6], sizes = [1], strides = [1]} : vector<16xi32> to vector<1xi32>
        %squeeze3A_1020 = vector.extract %slice3A_1019[0] : i32 from vector<1xi32>
        %shift_right_arithmetic3A_1021 = arith.constant 7 : i32
        %shift_right_arithmetic3A_1022 = arith.shrsi %squeeze3A_1020, %shift_right_arithmetic3A_1021 : i32
        %shift_left3A_1023 = arith.constant 7 : i32
        %shift_left3A_1024 = arith.shli %shift_right_arithmetic3A_1022, %shift_left3A_1023 : i32
        %multiple_of3A_1025 = tpu.assume_multiple %shift_left3A_1024, 128 : i32
        %dma_start3A_1026 = arith.constant 0 : i32
        %dma_start3A_1027 = arith.constant 768 : i32
        %dma_start3A_1028 = tpu.memref_slice %arg6[%rem3A_900, %dma_start3A_1026, %dma_start3A_1027] : memref<3x16x2048xf32, #tpu.memory_space<vmem>> -> memref<1x16x128xf32, #tpu.memory_space<vmem>>
        %dma_start3A_1029 = tpu.memref_squeeze %dma_start3A_1028 : memref<1x16x128xf32, #tpu.memory_space<vmem>> -> memref<16x128xf32, #tpu.memory_space<vmem>>
        %dma_start3A_1030 = arith.constant 0 : i32
        %dma_start3A_1031 = tpu.memref_slice %arg2[%dma_start3A_1030, %multiple_of3A_1025] : memref<16x1000000xf32, #tpu.memory_space<hbm>> -> memref<16x128xf32, #tpu.memory_space<hbm>>
        %dma_start3A_1032 = arith.constant 0 : i32
        %dma_start3A_1033 = arith.constant 768 : i32
        %dma_start3A_1034 = tpu.memref_slice %arg6[%rem3A_900, %dma_start3A_1032, %dma_start3A_1033] : memref<3x16x2048xf32, #tpu.memory_space<vmem>> -> memref<1x16x128xf32, #tpu.memory_space<vmem>>
        %dma_start3A_1035 = tpu.memref_squeeze %dma_start3A_1034 : memref<1x16x128xf32, #tpu.memory_space<vmem>> -> memref<16x128xf32, #tpu.memory_space<vmem>>
        %dma_start3A_1036 = arith.constant 0 : i32
        %dma_start3A_1037 = tpu.memref_slice %arg2[%dma_start3A_1036, %multiple_of3A_1025] : memref<16x1000000xf32, #tpu.memory_space<hbm>> -> memref<16x128xf32, #tpu.memory_space<hbm>>
        tpu.enqueue_dma source(%dma_start3A_1037 : memref<16x128xf32, #tpu.memory_space<hbm>>) target(%dma_start3A_1035 : memref<16x128xf32, #tpu.memory_space<vmem>>) target_semaphore(%arg8 : memref<!tpu.dma_semaphore, #tpu.memory_space<semaphore_mem>>)
        %slice3A_1038 = vector.extract_strided_slice %get3A_904 {offsets = [7], sizes = [1], strides = [1]} : vector<16xi32> to vector<1xi32>
        %squeeze3A_1039 = vector.extract %slice3A_1038[0] : i32 from vector<1xi32>
        %shift_right_arithmetic3A_1040 = arith.constant 7 : i32
        %shift_right_arithmetic3A_1041 = arith.shrsi %squeeze3A_1039, %shift_right_arithmetic3A_1040 : i32
        %shift_left3A_1042 = arith.constant 7 : i32
        %shift_left3A_1043 = arith.shli %shift_right_arithmetic3A_1041, %shift_left3A_1042 : i32
        %multiple_of3A_1044 = tpu.assume_multiple %shift_left3A_1043, 128 : i32
        %dma_start3A_1045 = arith.constant 0 : i32
        %dma_start3A_1046 = arith.constant 896 : i32
        %dma_start3A_1047 = tpu.memref_slice %arg6[%rem3A_900, %dma_start3A_1045, %dma_start3A_1046] : memref<3x16x2048xf32, #tpu.memory_space<vmem>> -> memref<1x16x128xf32, #tpu.memory_space<vmem>>
        %dma_start3A_1048 = tpu.memref_squeeze %dma_start3A_1047 : memref<1x16x128xf32, #tpu.memory_space<vmem>> -> memref<16x128xf32, #tpu.memory_space<vmem>>
        %dma_start3A_1049 = arith.constant 0 : i32
        %dma_start3A_1050 = tpu.memref_slice %arg2[%dma_start3A_1049, %multiple_of3A_1044] : memref<16x1000000xf32, #tpu.memory_space<hbm>> -> memref<16x128xf32, #tpu.memory_space<hbm>>
        %dma_start3A_1051 = arith.constant 0 : i32
        %dma_start3A_1052 = arith.constant 896 : i32
        %dma_start3A_1053 = tpu.memref_slice %arg6[%rem3A_900, %dma_start3A_1051, %dma_start3A_1052] : memref<3x16x2048xf32, #tpu.memory_space<vmem>> -> memref<1x16x128xf32, #tpu.memory_space<vmem>>
        %dma_start3A_1054 = tpu.memref_squeeze %dma_start3A_1053 : memref<1x16x128xf32, #tpu.memory_space<vmem>> -> memref<16x128xf32, #tpu.memory_space<vmem>>
        %dma_start3A_1055 = arith.constant 0 : i32
        %dma_start3A_1056 = tpu.memref_slice %arg2[%dma_start3A_1055, %multiple_of3A_1044] : memref<16x1000000xf32, #tpu.memory_space<hbm>> -> memref<16x128xf32, #tpu.memory_space<hbm>>
        tpu.enqueue_dma source(%dma_start3A_1056 : memref<16x128xf32, #tpu.memory_space<hbm>>) target(%dma_start3A_1054 : memref<16x128xf32, #tpu.memory_space<vmem>>) target_semaphore(%arg8 : memref<!tpu.dma_semaphore, #tpu.memory_space<semaphore_mem>>)
        %slice3A_1057 = vector.extract_strided_slice %get3A_904 {offsets = [8], sizes = [1], strides = [1]} : vector<16xi32> to vector<1xi32>
        %squeeze3A_1058 = vector.extract %slice3A_1057[0] : i32 from vector<1xi32>
        %shift_right_arithmetic3A_1059 = arith.constant 7 : i32
        %shift_right_arithmetic3A_1060 = arith.shrsi %squeeze3A_1058, %shift_right_arithmetic3A_1059 : i32
        %shift_left3A_1061 = arith.constant 7 : i32
        %shift_left3A_1062 = arith.shli %shift_right_arithmetic3A_1060, %shift_left3A_1061 : i32
        %multiple_of3A_1063 = tpu.assume_multiple %shift_left3A_1062, 128 : i32
        %dma_start3A_1064 = arith.constant 0 : i32
        %dma_start3A_1065 = arith.constant 1024 : i32
        %dma_start3A_1066 = tpu.memref_slice %arg6[%rem3A_900, %dma_start3A_1064, %dma_start3A_1065] : memref<3x16x2048xf32, #tpu.memory_space<vmem>> -> memref<1x16x128xf32, #tpu.memory_space<vmem>>
        %dma_start3A_1067 = tpu.memref_squeeze %dma_start3A_1066 : memref<1x16x128xf32, #tpu.memory_space<vmem>> -> memref<16x128xf32, #tpu.memory_space<vmem>>
        %dma_start3A_1068 = arith.constant 0 : i32
        %dma_start3A_1069 = tpu.memref_slice %arg2[%dma_start3A_1068, %multiple_of3A_1063] : memref<16x1000000xf32, #tpu.memory_space<hbm>> -> memref<16x128xf32, #tpu.memory_space<hbm>>
        %dma_start3A_1070 = arith.constant 0 : i32
        %dma_start3A_1071 = arith.constant 1024 : i32
        %dma_start3A_1072 = tpu.memref_slice %arg6[%rem3A_900, %dma_start3A_1070, %dma_start3A_1071] : memref<3x16x2048xf32, #tpu.memory_space<vmem>> -> memref<1x16x128xf32, #tpu.memory_space<vmem>>
        %dma_start3A_1073 = tpu.memref_squeeze %dma_start3A_1072 : memref<1x16x128xf32, #tpu.memory_space<vmem>> -> memref<16x128xf32, #tpu.memory_space<vmem>>
        %dma_start3A_1074 = arith.constant 0 : i32
        %dma_start3A_1075 = tpu.memref_slice %arg2[%dma_start3A_1074, %multiple_of3A_1063] : memref<16x1000000xf32, #tpu.memory_space<hbm>> -> memref<16x128xf32, #tpu.memory_space<hbm>>
        tpu.enqueue_dma source(%dma_start3A_1075 : memref<16x128xf32, #tpu.memory_space<hbm>>) target(%dma_start3A_1073 : memref<16x128xf32, #tpu.memory_space<vmem>>) target_semaphore(%arg8 : memref<!tpu.dma_semaphore, #tpu.memory_space<semaphore_mem>>)
        %slice3A_1076 = vector.extract_strided_slice %get3A_904 {offsets = [9], sizes = [1], strides = [1]} : vector<16xi32> to vector<1xi32>
        %squeeze3A_1077 = vector.extract %slice3A_1076[0] : i32 from vector<1xi32>
        %shift_right_arithmetic3A_1078 = arith.constant 7 : i32
        %shift_right_arithmetic3A_1079 = arith.shrsi %squeeze3A_1077, %shift_right_arithmetic3A_1078 : i32
        %shift_left3A_1080 = arith.constant 7 : i32
        %shift_left3A_1081 = arith.shli %shift_right_arithmetic3A_1079, %shift_left3A_1080 : i32
        %multiple_of3A_1082 = tpu.assume_multiple %shift_left3A_1081, 128 : i32
        %dma_start3A_1083 = arith.constant 0 : i32
        %dma_start3A_1084 = arith.constant 1152 : i32
        %dma_start3A_1085 = tpu.memref_slice %arg6[%rem3A_900, %dma_start3A_1083, %dma_start3A_1084] : memref<3x16x2048xf32, #tpu.memory_space<vmem>> -> memref<1x16x128xf32, #tpu.memory_space<vmem>>
        %dma_start3A_1086 = tpu.memref_squeeze %dma_start3A_1085 : memref<1x16x128xf32, #tpu.memory_space<vmem>> -> memref<16x128xf32, #tpu.memory_space<vmem>>
        %dma_start3A_1087 = arith.constant 0 : i32
        %dma_start3A_1088 = tpu.memref_slice %arg2[%dma_start3A_1087, %multiple_of3A_1082] : memref<16x1000000xf32, #tpu.memory_space<hbm>> -> memref<16x128xf32, #tpu.memory_space<hbm>>
        %dma_start3A_1089 = arith.constant 0 : i32
        %dma_start3A_1090 = arith.constant 1152 : i32
        %dma_start3A_1091 = tpu.memref_slice %arg6[%rem3A_900, %dma_start3A_1089, %dma_start3A_1090] : memref<3x16x2048xf32, #tpu.memory_space<vmem>> -> memref<1x16x128xf32, #tpu.memory_space<vmem>>
        %dma_start3A_1092 = tpu.memref_squeeze %dma_start3A_1091 : memref<1x16x128xf32, #tpu.memory_space<vmem>> -> memref<16x128xf32, #tpu.memory_space<vmem>>
        %dma_start3A_1093 = arith.constant 0 : i32
        %dma_start3A_1094 = tpu.memref_slice %arg2[%dma_start3A_1093, %multiple_of3A_1082] : memref<16x1000000xf32, #tpu.memory_space<hbm>> -> memref<16x128xf32, #tpu.memory_space<hbm>>
        tpu.enqueue_dma source(%dma_start3A_1094 : memref<16x128xf32, #tpu.memory_space<hbm>>) target(%dma_start3A_1092 : memref<16x128xf32, #tpu.memory_space<vmem>>) target_semaphore(%arg8 : memref<!tpu.dma_semaphore, #tpu.memory_space<semaphore_mem>>)
        %slice3A_1095 = vector.extract_strided_slice %get3A_904 {offsets = [10], sizes = [1], strides = [1]} : vector<16xi32> to vector<1xi32>
        %squeeze3A_1096 = vector.extract %slice3A_1095[0] : i32 from vector<1xi32>
        %shift_right_arithmetic3A_1097 = arith.constant 7 : i32
        %shift_right_arithmetic3A_1098 = arith.shrsi %squeeze3A_1096, %shift_right_arithmetic3A_1097 : i32
        %shift_left3A_1099 = arith.constant 7 : i32
        %shift_left3A_1100 = arith.shli %shift_right_arithmetic3A_1098, %shift_left3A_1099 : i32
        %multiple_of3A_1101 = tpu.assume_multiple %shift_left3A_1100, 128 : i32
        %dma_start3A_1102 = arith.constant 0 : i32
        %dma_start3A_1103 = arith.constant 1280 : i32
        %dma_start3A_1104 = tpu.memref_slice %arg6[%rem3A_900, %dma_start3A_1102, %dma_start3A_1103] : memref<3x16x2048xf32, #tpu.memory_space<vmem>> -> memref<1x16x128xf32, #tpu.memory_space<vmem>>
        %dma_start3A_1105 = tpu.memref_squeeze %dma_start3A_1104 : memref<1x16x128xf32, #tpu.memory_space<vmem>> -> memref<16x128xf32, #tpu.memory_space<vmem>>
        %dma_start3A_1106 = arith.constant 0 : i32
        %dma_start3A_1107 = tpu.memref_slice %arg2[%dma_start3A_1106, %multiple_of3A_1101] : memref<16x1000000xf32, #tpu.memory_space<hbm>> -> memref<16x128xf32, #tpu.memory_space<hbm>>
        %dma_start3A_1108 = arith.constant 0 : i32
        %dma_start3A_1109 = arith.constant 1280 : i32
        %dma_start3A_1110 = tpu.memref_slice %arg6[%rem3A_900, %dma_start3A_1108, %dma_start3A_1109] : memref<3x16x2048xf32, #tpu.memory_space<vmem>> -> memref<1x16x128xf32, #tpu.memory_space<vmem>>
        %dma_start3A_1111 = tpu.memref_squeeze %dma_start3A_1110 : memref<1x16x128xf32, #tpu.memory_space<vmem>> -> memref<16x128xf32, #tpu.memory_space<vmem>>
        %dma_start3A_1112 = arith.constant 0 : i32
        %dma_start3A_1113 = tpu.memref_slice %arg2[%dma_start3A_1112, %multiple_of3A_1101] : memref<16x1000000xf32, #tpu.memory_space<hbm>> -> memref<16x128xf32, #tpu.memory_space<hbm>>
        tpu.enqueue_dma source(%dma_start3A_1113 : memref<16x128xf32, #tpu.memory_space<hbm>>) target(%dma_start3A_1111 : memref<16x128xf32, #tpu.memory_space<vmem>>) target_semaphore(%arg8 : memref<!tpu.dma_semaphore, #tpu.memory_space<semaphore_mem>>)
        %slice3A_1114 = vector.extract_strided_slice %get3A_904 {offsets = [11], sizes = [1], strides = [1]} : vector<16xi32> to vector<1xi32>
        %squeeze3A_1115 = vector.extract %slice3A_1114[0] : i32 from vector<1xi32>
        %shift_right_arithmetic3A_1116 = arith.constant 7 : i32
        %shift_right_arithmetic3A_1117 = arith.shrsi %squeeze3A_1115, %shift_right_arithmetic3A_1116 : i32
        %shift_left3A_1118 = arith.constant 7 : i32
        %shift_left3A_1119 = arith.shli %shift_right_arithmetic3A_1117, %shift_left3A_1118 : i32
        %multiple_of3A_1120 = tpu.assume_multiple %shift_left3A_1119, 128 : i32
        %dma_start3A_1121 = arith.constant 0 : i32
        %dma_start3A_1122 = arith.constant 1408 : i32
        %dma_start3A_1123 = tpu.memref_slice %arg6[%rem3A_900, %dma_start3A_1121, %dma_start3A_1122] : memref<3x16x2048xf32, #tpu.memory_space<vmem>> -> memref<1x16x128xf32, #tpu.memory_space<vmem>>
        %dma_start3A_1124 = tpu.memref_squeeze %dma_start3A_1123 : memref<1x16x128xf32, #tpu.memory_space<vmem>> -> memref<16x128xf32, #tpu.memory_space<vmem>>
        %dma_start3A_1125 = arith.constant 0 : i32
        %dma_start3A_1126 = tpu.memref_slice %arg2[%dma_start3A_1125, %multiple_of3A_1120] : memref<16x1000000xf32, #tpu.memory_space<hbm>> -> memref<16x128xf32, #tpu.memory_space<hbm>>
        %dma_start3A_1127 = arith.constant 0 : i32
        %dma_start3A_1128 = arith.constant 1408 : i32
        %dma_start3A_1129 = tpu.memref_slice %arg6[%rem3A_900, %dma_start3A_1127, %dma_start3A_1128] : memref<3x16x2048xf32, #tpu.memory_space<vmem>> -> memref<1x16x128xf32, #tpu.memory_space<vmem>>
        %dma_start3A_1130 = tpu.memref_squeeze %dma_start3A_1129 : memref<1x16x128xf32, #tpu.memory_space<vmem>> -> memref<16x128xf32, #tpu.memory_space<vmem>>
        %dma_start3A_1131 = arith.constant 0 : i32
        %dma_start3A_1132 = tpu.memref_slice %arg2[%dma_start3A_1131, %multiple_of3A_1120] : memref<16x1000000xf32, #tpu.memory_space<hbm>> -> memref<16x128xf32, #tpu.memory_space<hbm>>
        tpu.enqueue_dma source(%dma_start3A_1132 : memref<16x128xf32, #tpu.memory_space<hbm>>) target(%dma_start3A_1130 : memref<16x128xf32, #tpu.memory_space<vmem>>) target_semaphore(%arg8 : memref<!tpu.dma_semaphore, #tpu.memory_space<semaphore_mem>>)
        %slice3A_1133 = vector.extract_strided_slice %get3A_904 {offsets = [12], sizes = [1], strides = [1]} : vector<16xi32> to vector<1xi32>
        %squeeze3A_1134 = vector.extract %slice3A_1133[0] : i32 from vector<1xi32>
        %shift_right_arithmetic3A_1135 = arith.constant 7 : i32
        %shift_right_arithmetic3A_1136 = arith.shrsi %squeeze3A_1134, %shift_right_arithmetic3A_1135 : i32
        %shift_left3A_1137 = arith.constant 7 : i32
        %shift_left3A_1138 = arith.shli %shift_right_arithmetic3A_1136, %shift_left3A_1137 : i32
        %multiple_of3A_1139 = tpu.assume_multiple %shift_left3A_1138, 128 : i32
        %dma_start3A_1140 = arith.constant 0 : i32
        %dma_start3A_1141 = arith.constant 1536 : i32
        %dma_start3A_1142 = tpu.memref_slice %arg6[%rem3A_900, %dma_start3A_1140, %dma_start3A_1141] : memref<3x16x2048xf32, #tpu.memory_space<vmem>> -> memref<1x16x128xf32, #tpu.memory_space<vmem>>
        %dma_start3A_1143 = tpu.memref_squeeze %dma_start3A_1142 : memref<1x16x128xf32, #tpu.memory_space<vmem>> -> memref<16x128xf32, #tpu.memory_space<vmem>>
        %dma_start3A_1144 = arith.constant 0 : i32
        %dma_start3A_1145 = tpu.memref_slice %arg2[%dma_start3A_1144, %multiple_of3A_1139] : memref<16x1000000xf32, #tpu.memory_space<hbm>> -> memref<16x128xf32, #tpu.memory_space<hbm>>
        %dma_start3A_1146 = arith.constant 0 : i32
        %dma_start3A_1147 = arith.constant 1536 : i32
        %dma_start3A_1148 = tpu.memref_slice %arg6[%rem3A_900, %dma_start3A_1146, %dma_start3A_1147] : memref<3x16x2048xf32, #tpu.memory_space<vmem>> -> memref<1x16x128xf32, #tpu.memory_space<vmem>>
        %dma_start3A_1149 = tpu.memref_squeeze %dma_start3A_1148 : memref<1x16x128xf32, #tpu.memory_space<vmem>> -> memref<16x128xf32, #tpu.memory_space<vmem>>
        %dma_start3A_1150 = arith.constant 0 : i32
        %dma_start3A_1151 = tpu.memref_slice %arg2[%dma_start3A_1150, %multiple_of3A_1139] : memref<16x1000000xf32, #tpu.memory_space<hbm>> -> memref<16x128xf32, #tpu.memory_space<hbm>>
        tpu.enqueue_dma source(%dma_start3A_1151 : memref<16x128xf32, #tpu.memory_space<hbm>>) target(%dma_start3A_1149 : memref<16x128xf32, #tpu.memory_space<vmem>>) target_semaphore(%arg8 : memref<!tpu.dma_semaphore, #tpu.memory_space<semaphore_mem>>)
        %slice3A_1152 = vector.extract_strided_slice %get3A_904 {offsets = [13], sizes = [1], strides = [1]} : vector<16xi32> to vector<1xi32>
        %squeeze3A_1153 = vector.extract %slice3A_1152[0] : i32 from vector<1xi32>
        %shift_right_arithmetic3A_1154 = arith.constant 7 : i32
        %shift_right_arithmetic3A_1155 = arith.shrsi %squeeze3A_1153, %shift_right_arithmetic3A_1154 : i32
        %shift_left3A_1156 = arith.constant 7 : i32
        %shift_left3A_1157 = arith.shli %shift_right_arithmetic3A_1155, %shift_left3A_1156 : i32
        %multiple_of3A_1158 = tpu.assume_multiple %shift_left3A_1157, 128 : i32
        %dma_start3A_1159 = arith.constant 0 : i32
        %dma_start3A_1160 = arith.constant 1664 : i32
        %dma_start3A_1161 = tpu.memref_slice %arg6[%rem3A_900, %dma_start3A_1159, %dma_start3A_1160] : memref<3x16x2048xf32, #tpu.memory_space<vmem>> -> memref<1x16x128xf32, #tpu.memory_space<vmem>>
        %dma_start3A_1162 = tpu.memref_squeeze %dma_start3A_1161 : memref<1x16x128xf32, #tpu.memory_space<vmem>> -> memref<16x128xf32, #tpu.memory_space<vmem>>
        %dma_start3A_1163 = arith.constant 0 : i32
        %dma_start3A_1164 = tpu.memref_slice %arg2[%dma_start3A_1163, %multiple_of3A_1158] : memref<16x1000000xf32, #tpu.memory_space<hbm>> -> memref<16x128xf32, #tpu.memory_space<hbm>>
        %dma_start3A_1165 = arith.constant 0 : i32
        %dma_start3A_1166 = arith.constant 1664 : i32
        %dma_start3A_1167 = tpu.memref_slice %arg6[%rem3A_900, %dma_start3A_1165, %dma_start3A_1166] : memref<3x16x2048xf32, #tpu.memory_space<vmem>> -> memref<1x16x128xf32, #tpu.memory_space<vmem>>
        %dma_start3A_1168 = tpu.memref_squeeze %dma_start3A_1167 : memref<1x16x128xf32, #tpu.memory_space<vmem>> -> memref<16x128xf32, #tpu.memory_space<vmem>>
        %dma_start3A_1169 = arith.constant 0 : i32
        %dma_start3A_1170 = tpu.memref_slice %arg2[%dma_start3A_1169, %multiple_of3A_1158] : memref<16x1000000xf32, #tpu.memory_space<hbm>> -> memref<16x128xf32, #tpu.memory_space<hbm>>
        tpu.enqueue_dma source(%dma_start3A_1170 : memref<16x128xf32, #tpu.memory_space<hbm>>) target(%dma_start3A_1168 : memref<16x128xf32, #tpu.memory_space<vmem>>) target_semaphore(%arg8 : memref<!tpu.dma_semaphore, #tpu.memory_space<semaphore_mem>>)
        %slice3A_1171 = vector.extract_strided_slice %get3A_904 {offsets = [14], sizes = [1], strides = [1]} : vector<16xi32> to vector<1xi32>
        %squeeze3A_1172 = vector.extract %slice3A_1171[0] : i32 from vector<1xi32>
        %shift_right_arithmetic3A_1173 = arith.constant 7 : i32
        %shift_right_arithmetic3A_1174 = arith.shrsi %squeeze3A_1172, %shift_right_arithmetic3A_1173 : i32
        %shift_left3A_1175 = arith.constant 7 : i32
        %shift_left3A_1176 = arith.shli %shift_right_arithmetic3A_1174, %shift_left3A_1175 : i32
        %multiple_of3A_1177 = tpu.assume_multiple %shift_left3A_1176, 128 : i32
        %dma_start3A_1178 = arith.constant 0 : i32
        %dma_start3A_1179 = arith.constant 1792 : i32
        %dma_start3A_1180 = tpu.memref_slice %arg6[%rem3A_900, %dma_start3A_1178, %dma_start3A_1179] : memref<3x16x2048xf32, #tpu.memory_space<vmem>> -> memref<1x16x128xf32, #tpu.memory_space<vmem>>
        %dma_start3A_1181 = tpu.memref_squeeze %dma_start3A_1180 : memref<1x16x128xf32, #tpu.memory_space<vmem>> -> memref<16x128xf32, #tpu.memory_space<vmem>>
        %dma_start3A_1182 = arith.constant 0 : i32
        %dma_start3A_1183 = tpu.memref_slice %arg2[%dma_start3A_1182, %multiple_of3A_1177] : memref<16x1000000xf32, #tpu.memory_space<hbm>> -> memref<16x128xf32, #tpu.memory_space<hbm>>
        %dma_start3A_1184 = arith.constant 0 : i32
        %dma_start3A_1185 = arith.constant 1792 : i32
        %dma_start3A_1186 = tpu.memref_slice %arg6[%rem3A_900, %dma_start3A_1184, %dma_start3A_1185] : memref<3x16x2048xf32, #tpu.memory_space<vmem>> -> memref<1x16x128xf32, #tpu.memory_space<vmem>>
        %dma_start3A_1187 = tpu.memref_squeeze %dma_start3A_1186 : memref<1x16x128xf32, #tpu.memory_space<vmem>> -> memref<16x128xf32, #tpu.memory_space<vmem>>
        %dma_start3A_1188 = arith.constant 0 : i32
        %dma_start3A_1189 = tpu.memref_slice %arg2[%dma_start3A_1188, %multiple_of3A_1177] : memref<16x1000000xf32, #tpu.memory_space<hbm>> -> memref<16x128xf32, #tpu.memory_space<hbm>>
        tpu.enqueue_dma source(%dma_start3A_1189 : memref<16x128xf32, #tpu.memory_space<hbm>>) target(%dma_start3A_1187 : memref<16x128xf32, #tpu.memory_space<vmem>>) target_semaphore(%arg8 : memref<!tpu.dma_semaphore, #tpu.memory_space<semaphore_mem>>)
        %slice3A_1190 = vector.extract_strided_slice %get3A_904 {offsets = [15], sizes = [1], strides = [1]} : vector<16xi32> to vector<1xi32>
        %squeeze3A_1191 = vector.extract %slice3A_1190[0] : i32 from vector<1xi32>
        %shift_right_arithmetic3A_1192 = arith.constant 7 : i32
        %shift_right_arithmetic3A_1193 = arith.shrsi %squeeze3A_1191, %shift_right_arithmetic3A_1192 : i32
        %shift_left3A_1194 = arith.constant 7 : i32
        %shift_left3A_1195 = arith.shli %shift_right_arithmetic3A_1193, %shift_left3A_1194 : i32
        %multiple_of3A_1196 = tpu.assume_multiple %shift_left3A_1195, 128 : i32
        %dma_start3A_1197 = arith.constant 0 : i32
        %dma_start3A_1198 = arith.constant 1920 : i32
        %dma_start3A_1199 = tpu.memref_slice %arg6[%rem3A_900, %dma_start3A_1197, %dma_start3A_1198] : memref<3x16x2048xf32, #tpu.memory_space<vmem>> -> memref<1x16x128xf32, #tpu.memory_space<vmem>>
        %dma_start3A_1200 = tpu.memref_squeeze %dma_start3A_1199 : memref<1x16x128xf32, #tpu.memory_space<vmem>> -> memref<16x128xf32, #tpu.memory_space<vmem>>
        %dma_start3A_1201 = arith.constant 0 : i32
        %dma_start3A_1202 = tpu.memref_slice %arg2[%dma_start3A_1201, %multiple_of3A_1196] : memref<16x1000000xf32, #tpu.memory_space<hbm>> -> memref<16x128xf32, #tpu.memory_space<hbm>>
        %dma_start3A_1203 = arith.constant 0 : i32
        %dma_start3A_1204 = arith.constant 1920 : i32
        %dma_start3A_1205 = tpu.memref_slice %arg6[%rem3A_900, %dma_start3A_1203, %dma_start3A_1204] : memref<3x16x2048xf32, #tpu.memory_space<vmem>> -> memref<1x16x128xf32, #tpu.memory_space<vmem>>
        %dma_start3A_1206 = tpu.memref_squeeze %dma_start3A_1205 : memref<1x16x128xf32, #tpu.memory_space<vmem>> -> memref<16x128xf32, #tpu.memory_space<vmem>>
        %dma_start3A_1207 = arith.constant 0 : i32
        %dma_start3A_1208 = tpu.memref_slice %arg2[%dma_start3A_1207, %multiple_of3A_1196] : memref<16x1000000xf32, #tpu.memory_space<hbm>> -> memref<16x128xf32, #tpu.memory_space<hbm>>
        tpu.enqueue_dma source(%dma_start3A_1208 : memref<16x128xf32, #tpu.memory_space<hbm>>) target(%dma_start3A_1206 : memref<16x128xf32, #tpu.memory_space<vmem>>) target_semaphore(%arg8 : memref<!tpu.dma_semaphore, #tpu.memory_space<semaphore_mem>>)
      } else {
      }
      %sub3A = arith.constant 2 : i32
      %sub3A_648 = arith.subi %scan3A_645, %sub3A : i32
      %add3A_649 = arith.constant 1 : i32
      %add3A_650 = arith.addi %scan3A_645, %add3A_649 : i32
      %rem3A = arith.constant 3 : i32
      %rem3A_651 = arith.remsi %add3A_650, %rem3A : i32
      %dma_wait3A = arith.constant 0 : i32
      %dma_wait3A_652 = arith.constant 0 : i32
      %dma_wait3A_653 = tpu.memref_slice %arg6[%rem3A_651, %dma_wait3A, %dma_wait3A_652] : memref<3x16x2048xf32, #tpu.memory_space<vmem>> -> memref<1x16x2048xf32, #tpu.memory_space<vmem>>
      %dma_wait3A_654 = tpu.memref_squeeze %dma_wait3A_653 : memref<1x16x2048xf32, #tpu.memory_space<vmem>> -> memref<16x2048xf32, #tpu.memory_space<vmem>>
      %dma_wait3A_655 = arith.constant 0 : i32
      %dma_wait3A_656 = arith.constant 0 : i32
      %dma_wait3A_657 = tpu.memref_slice %arg2[%dma_wait3A_655, %dma_wait3A_656] : memref<16x1000000xf32, #tpu.memory_space<hbm>> -> memref<16x2048xf32, #tpu.memory_space<hbm>>
      %dma_wait3A_658 = arith.constant 0 : i32
      %dma_wait3A_659 = arith.constant 0 : i32
      %dma_wait3A_660 = tpu.memref_slice %arg6[%rem3A_651, %dma_wait3A_658, %dma_wait3A_659] : memref<3x16x2048xf32, #tpu.memory_space<vmem>> -> memref<1x16x2048xf32, #tpu.memory_space<vmem>>
      %dma_wait3A_661 = tpu.memref_squeeze %dma_wait3A_660 : memref<1x16x2048xf32, #tpu.memory_space<vmem>> -> memref<16x2048xf32, #tpu.memory_space<vmem>>
      %dma_wait3A_662 = arith.constant 0 : i32
      %dma_wait3A_663 = arith.constant 0 : i32
      %dma_wait3A_664 = tpu.memref_slice %arg2[%dma_wait3A_662, %dma_wait3A_663] : memref<16x1000000xf32, #tpu.memory_space<hbm>> -> memref<16x2048xf32, #tpu.memory_space<hbm>>
      tpu.wait_dma2 semaphore(%arg8 : memref<!tpu.dma_semaphore, #tpu.memory_space<semaphore_mem>>) src(%dma_wait3A_664 : memref<16x2048xf32, #tpu.memory_space<hbm>>) dst(%dma_wait3A_661 : memref<16x2048xf32, #tpu.memory_space<vmem>>)
      %mul3A_665 = arith.constant 16 : i32
      %mul3A_666 = arith.muli %sub3A_648, %mul3A_665 : i32
      %get3A_667 = arith.index_cast %mul3A_666 : i32 to index
      %get3A_668 = tpu.vector_load %arg5[%get3A_667] {strides = array<i32>} : memref<512xi32, #tpu.memory_space<vmem>>, vector<16xi32>,
      %mul3A_669 = arith.constant 128 : i32
      %mul3A_670 = vector.broadcast %mul3A_669 : i32 to vector<16xi32>
      %mul3A_671 = arith.muli %iota3A, %mul3A_670 : vector<16xi32>
      %rem3A_672 = arith.constant 128 : i32
      %rem3A_673 = vector.broadcast %rem3A_672 : i32 to vector<16xi32>
      %rem3A_674 = arith.remsi %get3A_668, %rem3A_673 : vector<16xi32>
      %add3A_675 = arith.addi %mul3A_671, %rem3A_674 : vector<16xi32>
      %broadcast_in_dim3A = arith.constant 1 : i32
      %broadcast_in_dim3A_676 = vector.broadcast %broadcast_in_dim3A : i32 to vector<16xi32>
      %mul3A_677 = arith.constant 0 : i32
      %mul3A_678 = vector.broadcast %mul3A_677 : i32 to vector<16xi32>
      %mul3A_679 = arith.muli %broadcast_in_dim3A_676, %mul3A_678 : vector<16xi32>
      %gather3A = arith.constant 0 : i32
      %gather3A_680 = arith.constant 0 : i32
      %gather3A_681 = tpu.memref_slice %arg6[%rem3A_651, %gather3A, %gather3A_680] : memref<3x16x2048xf32, #tpu.memory_space<vmem>> -> memref<1x16x2048xf32, #tpu.memory_space<vmem>>
      %gather3A_682 = tpu.memref_squeeze %gather3A_681 : memref<1x16x2048xf32, #tpu.memory_space<vmem>> -> memref<16x2048xf32, #tpu.memory_space<vmem>>
      %gather3A_683 = tpu.vector_load_idx %gather3A_682[%mul3A_679, %add3A_675] : memref<16x2048xf32, #tpu.memory_space<vmem>>[vector<16xi32>, vector<16xi32>], vector<16xf32>,
      %mul3A_684 = arith.constant 16 : i32
      %mul3A_685 = arith.muli %sub3A_648, %mul3A_684 : i32
      %swap3A = arith.constant 0 : i32
      %swap3A_686 = arith.index_cast %swap3A : i32 to index
      %swap3A_687 = arith.index_cast %mul3A_685 : i32 to index
      %swap3A_688 = tpu.vector_load %arg7[%swap3A_686, %swap3A_687] {strides = array<i32>} : memref<16x512xf32, #tpu.memory_space<vmem>>, vector<16xf32>,
      tpu.vector_store %arg7[%swap3A_686, %swap3A_687], %gather3A_683 {strides = array<i32>} : memref<16x512xf32, #tpu.memory_space<vmem>>, vector<16xf32>,
      %mul3A_689 = arith.constant 1 : i32
      %mul3A_690 = vector.broadcast %mul3A_689 : i32 to vector<16xi32>
      %mul3A_691 = arith.muli %broadcast_in_dim3A_676, %mul3A_690 : vector<16xi32>
      %gather3A_692 = arith.constant 0 : i32
      %gather3A_693 = arith.constant 0 : i32
      %gather3A_694 = tpu.memref_slice %arg6[%rem3A_651, %gather3A_692, %gather3A_693] : memref<3x16x2048xf32, #tpu.memory_space<vmem>> -> memref<1x16x2048xf32, #tpu.memory_space<vmem>>
      %gather3A_695 = tpu.memref_squeeze %gather3A_694 : memref<1x16x2048xf32, #tpu.memory_space<vmem>> -> memref<16x2048xf32, #tpu.memory_space<vmem>>
      %gather3A_696 = tpu.vector_load_idx %gather3A_695[%mul3A_691, %add3A_675] : memref<16x2048xf32, #tpu.memory_space<vmem>>[vector<16xi32>, vector<16xi32>], vector<16xf32>,
      %mul3A_697 = arith.constant 16 : i32
      %mul3A_698 = arith.muli %sub3A_648, %mul3A_697 : i32
      %swap3A_699 = arith.constant 1 : i32
      %swap3A_700 = arith.index_cast %swap3A_699 : i32 to index
      %swap3A_701 = arith.index_cast %mul3A_698 : i32 to index
      %swap3A_702 = tpu.vector_load %arg7[%swap3A_700, %swap3A_701] {strides = array<i32>} : memref<16x512xf32, #tpu.memory_space<vmem>>, vector<16xf32>,
      tpu.vector_store %arg7[%swap3A_700, %swap3A_701], %gather3A_696 {strides = array<i32>} : memref<16x512xf32, #tpu.memory_space<vmem>>, vector<16xf32>,
      %mul3A_703 = arith.constant 2 : i32
      %mul3A_704 = vector.broadcast %mul3A_703 : i32 to vector<16xi32>
      %mul3A_705 = arith.muli %broadcast_in_dim3A_676, %mul3A_704 : vector<16xi32>
      %gather3A_706 = arith.constant 0 : i32
      %gather3A_707 = arith.constant 0 : i32
      %gather3A_708 = tpu.memref_slice %arg6[%rem3A_651, %gather3A_706, %gather3A_707] : memref<3x16x2048xf32, #tpu.memory_space<vmem>> -> memref<1x16x2048xf32, #tpu.memory_space<vmem>>
      %gather3A_709 = tpu.memref_squeeze %gather3A_708 : memref<1x16x2048xf32, #tpu.memory_space<vmem>> -> memref<16x2048xf32, #tpu.memory_space<vmem>>
      %gather3A_710 = tpu.vector_load_idx %gather3A_709[%mul3A_705, %add3A_675] : memref<16x2048xf32, #tpu.memory_space<vmem>>[vector<16xi32>, vector<16xi32>], vector<16xf32>,
      %mul3A_711 = arith.constant 16 : i32
      %mul3A_712 = arith.muli %sub3A_648, %mul3A_711 : i32
      %swap3A_713 = arith.constant 2 : i32
      %swap3A_714 = arith.index_cast %swap3A_713 : i32 to index
      %swap3A_715 = arith.index_cast %mul3A_712 : i32 to index
      %swap3A_716 = tpu.vector_load %arg7[%swap3A_714, %swap3A_715] {strides = array<i32>} : memref<16x512xf32, #tpu.memory_space<vmem>>, vector<16xf32>,
      tpu.vector_store %arg7[%swap3A_714, %swap3A_715], %gather3A_710 {strides = array<i32>} : memref<16x512xf32, #tpu.memory_space<vmem>>, vector<16xf32>,
      %mul3A_717 = arith.constant 3 : i32
      %mul3A_718 = vector.broadcast %mul3A_717 : i32 to vector<16xi32>
      %mul3A_719 = arith.muli %broadcast_in_dim3A_676, %mul3A_718 : vector<16xi32>
      %gather3A_720 = arith.constant 0 : i32
      %gather3A_721 = arith.constant 0 : i32
      %gather3A_722 = tpu.memref_slice %arg6[%rem3A_651, %gather3A_720, %gather3A_721] : memref<3x16x2048xf32, #tpu.memory_space<vmem>> -> memref<1x16x2048xf32, #tpu.memory_space<vmem>>
      %gather3A_723 = tpu.memref_squeeze %gather3A_722 : memref<1x16x2048xf32, #tpu.memory_space<vmem>> -> memref<16x2048xf32, #tpu.memory_space<vmem>>
      %gather3A_724 = tpu.vector_load_idx %gather3A_723[%mul3A_719, %add3A_675] : memref<16x2048xf32, #tpu.memory_space<vmem>>[vector<16xi32>, vector<16xi32>], vector<16xf32>,
      %mul3A_725 = arith.constant 16 : i32
      %mul3A_726 = arith.muli %sub3A_648, %mul3A_725 : i32
      %swap3A_727 = arith.constant 3 : i32
      %swap3A_728 = arith.index_cast %swap3A_727 : i32 to index
      %swap3A_729 = arith.index_cast %mul3A_726 : i32 to index
      %swap3A_730 = tpu.vector_load %arg7[%swap3A_728, %swap3A_729] {strides = array<i32>} : memref<16x512xf32, #tpu.memory_space<vmem>>, vector<16xf32>,
      tpu.vector_store %arg7[%swap3A_728, %swap3A_729], %gather3A_724 {strides = array<i32>} : memref<16x512xf32, #tpu.memory_space<vmem>>, vector<16xf32>,
      %mul3A_731 = arith.constant 4 : i32
      %mul3A_732 = vector.broadcast %mul3A_731 : i32 to vector<16xi32>
      %mul3A_733 = arith.muli %broadcast_in_dim3A_676, %mul3A_732 : vector<16xi32>
      %gather3A_734 = arith.constant 0 : i32
      %gather3A_735 = arith.constant 0 : i32
      %gather3A_736 = tpu.memref_slice %arg6[%rem3A_651, %gather3A_734, %gather3A_735] : memref<3x16x2048xf32, #tpu.memory_space<vmem>> -> memref<1x16x2048xf32, #tpu.memory_space<vmem>>
      %gather3A_737 = tpu.memref_squeeze %gather3A_736 : memref<1x16x2048xf32, #tpu.memory_space<vmem>> -> memref<16x2048xf32, #tpu.memory_space<vmem>>
      %gather3A_738 = tpu.vector_load_idx %gather3A_737[%mul3A_733, %add3A_675] : memref<16x2048xf32, #tpu.memory_space<vmem>>[vector<16xi32>, vector<16xi32>], vector<16xf32>,
      %mul3A_739 = arith.constant 16 : i32
      %mul3A_740 = arith.muli %sub3A_648, %mul3A_739 : i32
      %swap3A_741 = arith.constant 4 : i32
      %swap3A_742 = arith.index_cast %swap3A_741 : i32 to index
      %swap3A_743 = arith.index_cast %mul3A_740 : i32 to index
      %swap3A_744 = tpu.vector_load %arg7[%swap3A_742, %swap3A_743] {strides = array<i32>} : memref<16x512xf32, #tpu.memory_space<vmem>>, vector<16xf32>,
      tpu.vector_store %arg7[%swap3A_742, %swap3A_743], %gather3A_738 {strides = array<i32>} : memref<16x512xf32, #tpu.memory_space<vmem>>, vector<16xf32>,
      %mul3A_745 = arith.constant 5 : i32
      %mul3A_746 = vector.broadcast %mul3A_745 : i32 to vector<16xi32>
      %mul3A_747 = arith.muli %broadcast_in_dim3A_676, %mul3A_746 : vector<16xi32>
      %gather3A_748 = arith.constant 0 : i32
      %gather3A_749 = arith.constant 0 : i32
      %gather3A_750 = tpu.memref_slice %arg6[%rem3A_651, %gather3A_748, %gather3A_749] : memref<3x16x2048xf32, #tpu.memory_space<vmem>> -> memref<1x16x2048xf32, #tpu.memory_space<vmem>>
      %gather3A_751 = tpu.memref_squeeze %gather3A_750 : memref<1x16x2048xf32, #tpu.memory_space<vmem>> -> memref<16x2048xf32, #tpu.memory_space<vmem>>
      %gather3A_752 = tpu.vector_load_idx %gather3A_751[%mul3A_747, %add3A_675] : memref<16x2048xf32, #tpu.memory_space<vmem>>[vector<16xi32>, vector<16xi32>], vector<16xf32>,
      %mul3A_753 = arith.constant 16 : i32
      %mul3A_754 = arith.muli %sub3A_648, %mul3A_753 : i32
      %swap3A_755 = arith.constant 5 : i32
      %swap3A_756 = arith.index_cast %swap3A_755 : i32 to index
      %swap3A_757 = arith.index_cast %mul3A_754 : i32 to index
      %swap3A_758 = tpu.vector_load %arg7[%swap3A_756, %swap3A_757] {strides = array<i32>} : memref<16x512xf32, #tpu.memory_space<vmem>>, vector<16xf32>,
      tpu.vector_store %arg7[%swap3A_756, %swap3A_757], %gather3A_752 {strides = array<i32>} : memref<16x512xf32, #tpu.memory_space<vmem>>, vector<16xf32>,
      %mul3A_759 = arith.constant 6 : i32
      %mul3A_760 = vector.broadcast %mul3A_759 : i32 to vector<16xi32>
      %mul3A_761 = arith.muli %broadcast_in_dim3A_676, %mul3A_760 : vector<16xi32>
      %gather3A_762 = arith.constant 0 : i32
      %gather3A_763 = arith.constant 0 : i32
      %gather3A_764 = tpu.memref_slice %arg6[%rem3A_651, %gather3A_762, %gather3A_763] : memref<3x16x2048xf32, #tpu.memory_space<vmem>> -> memref<1x16x2048xf32, #tpu.memory_space<vmem>>
      %gather3A_765 = tpu.memref_squeeze %gather3A_764 : memref<1x16x2048xf32, #tpu.memory_space<vmem>> -> memref<16x2048xf32, #tpu.memory_space<vmem>>
      %gather3A_766 = tpu.vector_load_idx %gather3A_765[%mul3A_761, %add3A_675] : memref<16x2048xf32, #tpu.memory_space<vmem>>[vector<16xi32>, vector<16xi32>], vector<16xf32>,
      %mul3A_767 = arith.constant 16 : i32
      %mul3A_768 = arith.muli %sub3A_648, %mul3A_767 : i32
      %swap3A_769 = arith.constant 6 : i32
      %swap3A_770 = arith.index_cast %swap3A_769 : i32 to index
      %swap3A_771 = arith.index_cast %mul3A_768 : i32 to index
      %swap3A_772 = tpu.vector_load %arg7[%swap3A_770, %swap3A_771] {strides = array<i32>} : memref<16x512xf32, #tpu.memory_space<vmem>>, vector<16xf32>,
      tpu.vector_store %arg7[%swap3A_770, %swap3A_771], %gather3A_766 {strides = array<i32>} : memref<16x512xf32, #tpu.memory_space<vmem>>, vector<16xf32>,
      %mul3A_773 = arith.constant 7 : i32
      %mul3A_774 = vector.broadcast %mul3A_773 : i32 to vector<16xi32>
      %mul3A_775 = arith.muli %broadcast_in_dim3A_676, %mul3A_774 : vector<16xi32>
      %gather3A_776 = arith.constant 0 : i32
      %gather3A_777 = arith.constant 0 : i32
      %gather3A_778 = tpu.memref_slice %arg6[%rem3A_651, %gather3A_776, %gather3A_777] : memref<3x16x2048xf32, #tpu.memory_space<vmem>> -> memref<1x16x2048xf32, #tpu.memory_space<vmem>>
      %gather3A_779 = tpu.memref_squeeze %gather3A_778 : memref<1x16x2048xf32, #tpu.memory_space<vmem>> -> memref<16x2048xf32, #tpu.memory_space<vmem>>
      %gather3A_780 = tpu.vector_load_idx %gather3A_779[%mul3A_775, %add3A_675] : memref<16x2048xf32, #tpu.memory_space<vmem>>[vector<16xi32>, vector<16xi32>], vector<16xf32>,
      %mul3A_781 = arith.constant 16 : i32
      %mul3A_782 = arith.muli %sub3A_648, %mul3A_781 : i32
      %swap3A_783 = arith.constant 7 : i32
      %swap3A_784 = arith.index_cast %swap3A_783 : i32 to index
      %swap3A_785 = arith.index_cast %mul3A_782 : i32 to index
      %swap3A_786 = tpu.vector_load %arg7[%swap3A_784, %swap3A_785] {strides = array<i32>} : memref<16x512xf32, #tpu.memory_space<vmem>>, vector<16xf32>,
      tpu.vector_store %arg7[%swap3A_784, %swap3A_785], %gather3A_780 {strides = array<i32>} : memref<16x512xf32, #tpu.memory_space<vmem>>, vector<16xf32>,
      %mul3A_787 = arith.constant 8 : i32
      %mul3A_788 = vector.broadcast %mul3A_787 : i32 to vector<16xi32>
      %mul3A_789 = arith.muli %broadcast_in_dim3A_676, %mul3A_788 : vector<16xi32>
      %gather3A_790 = arith.constant 0 : i32
      %gather3A_791 = arith.constant 0 : i32
      %gather3A_792 = tpu.memref_slice %arg6[%rem3A_651, %gather3A_790, %gather3A_791] : memref<3x16x2048xf32, #tpu.memory_space<vmem>> -> memref<1x16x2048xf32, #tpu.memory_space<vmem>>
      %gather3A_793 = tpu.memref_squeeze %gather3A_792 : memref<1x16x2048xf32, #tpu.memory_space<vmem>> -> memref<16x2048xf32, #tpu.memory_space<vmem>>
      %gather3A_794 = tpu.vector_load_idx %gather3A_793[%mul3A_789, %add3A_675] : memref<16x2048xf32, #tpu.memory_space<vmem>>[vector<16xi32>, vector<16xi32>], vector<16xf32>,
      %mul3A_795 = arith.constant 16 : i32
      %mul3A_796 = arith.muli %sub3A_648, %mul3A_795 : i32
      %swap3A_797 = arith.constant 8 : i32
      %swap3A_798 = arith.index_cast %swap3A_797 : i32 to index
      %swap3A_799 = arith.index_cast %mul3A_796 : i32 to index
      %swap3A_800 = tpu.vector_load %arg7[%swap3A_798, %swap3A_799] {strides = array<i32>} : memref<16x512xf32, #tpu.memory_space<vmem>>, vector<16xf32>,
      tpu.vector_store %arg7[%swap3A_798, %swap3A_799], %gather3A_794 {strides = array<i32>} : memref<16x512xf32, #tpu.memory_space<vmem>>, vector<16xf32>,
      %mul3A_801 = arith.constant 9 : i32
      %mul3A_802 = vector.broadcast %mul3A_801 : i32 to vector<16xi32>
      %mul3A_803 = arith.muli %broadcast_in_dim3A_676, %mul3A_802 : vector<16xi32>
      %gather3A_804 = arith.constant 0 : i32
      %gather3A_805 = arith.constant 0 : i32
      %gather3A_806 = tpu.memref_slice %arg6[%rem3A_651, %gather3A_804, %gather3A_805] : memref<3x16x2048xf32, #tpu.memory_space<vmem>> -> memref<1x16x2048xf32, #tpu.memory_space<vmem>>
      %gather3A_807 = tpu.memref_squeeze %gather3A_806 : memref<1x16x2048xf32, #tpu.memory_space<vmem>> -> memref<16x2048xf32, #tpu.memory_space<vmem>>
      %gather3A_808 = tpu.vector_load_idx %gather3A_807[%mul3A_803, %add3A_675] : memref<16x2048xf32, #tpu.memory_space<vmem>>[vector<16xi32>, vector<16xi32>], vector<16xf32>,
      %mul3A_809 = arith.constant 16 : i32
      %mul3A_810 = arith.muli %sub3A_648, %mul3A_809 : i32
      %swap3A_811 = arith.constant 9 : i32
      %swap3A_812 = arith.index_cast %swap3A_811 : i32 to index
      %swap3A_813 = arith.index_cast %mul3A_810 : i32 to index
      %swap3A_814 = tpu.vector_load %arg7[%swap3A_812, %swap3A_813] {strides = array<i32>} : memref<16x512xf32, #tpu.memory_space<vmem>>, vector<16xf32>,
      tpu.vector_store %arg7[%swap3A_812, %swap3A_813], %gather3A_808 {strides = array<i32>} : memref<16x512xf32, #tpu.memory_space<vmem>>, vector<16xf32>,
      %mul3A_815 = arith.constant 10 : i32
      %mul3A_816 = vector.broadcast %mul3A_815 : i32 to vector<16xi32>
      %mul3A_817 = arith.muli %broadcast_in_dim3A_676, %mul3A_816 : vector<16xi32>
      %gather3A_818 = arith.constant 0 : i32
      %gather3A_819 = arith.constant 0 : i32
      %gather3A_820 = tpu.memref_slice %arg6[%rem3A_651, %gather3A_818, %gather3A_819] : memref<3x16x2048xf32, #tpu.memory_space<vmem>> -> memref<1x16x2048xf32, #tpu.memory_space<vmem>>
      %gather3A_821 = tpu.memref_squeeze %gather3A_820 : memref<1x16x2048xf32, #tpu.memory_space<vmem>> -> memref<16x2048xf32, #tpu.memory_space<vmem>>
      %gather3A_822 = tpu.vector_load_idx %gather3A_821[%mul3A_817, %add3A_675] : memref<16x2048xf32, #tpu.memory_space<vmem>>[vector<16xi32>, vector<16xi32>], vector<16xf32>,
      %mul3A_823 = arith.constant 16 : i32
      %mul3A_824 = arith.muli %sub3A_648, %mul3A_823 : i32
      %swap3A_825 = arith.constant 10 : i32
      %swap3A_826 = arith.index_cast %swap3A_825 : i32 to index
      %swap3A_827 = arith.index_cast %mul3A_824 : i32 to index
      %swap3A_828 = tpu.vector_load %arg7[%swap3A_826, %swap3A_827] {strides = array<i32>} : memref<16x512xf32, #tpu.memory_space<vmem>>, vector<16xf32>,
      tpu.vector_store %arg7[%swap3A_826, %swap3A_827], %gather3A_822 {strides = array<i32>} : memref<16x512xf32, #tpu.memory_space<vmem>>, vector<16xf32>,
      %mul3A_829 = arith.constant 11 : i32
      %mul3A_830 = vector.broadcast %mul3A_829 : i32 to vector<16xi32>
      %mul3A_831 = arith.muli %broadcast_in_dim3A_676, %mul3A_830 : vector<16xi32>
      %gather3A_832 = arith.constant 0 : i32
      %gather3A_833 = arith.constant 0 : i32
      %gather3A_834 = tpu.memref_slice %arg6[%rem3A_651, %gather3A_832, %gather3A_833] : memref<3x16x2048xf32, #tpu.memory_space<vmem>> -> memref<1x16x2048xf32, #tpu.memory_space<vmem>>
      %gather3A_835 = tpu.memref_squeeze %gather3A_834 : memref<1x16x2048xf32, #tpu.memory_space<vmem>> -> memref<16x2048xf32, #tpu.memory_space<vmem>>
      %gather3A_836 = tpu.vector_load_idx %gather3A_835[%mul3A_831, %add3A_675] : memref<16x2048xf32, #tpu.memory_space<vmem>>[vector<16xi32>, vector<16xi32>], vector<16xf32>,
      %mul3A_837 = arith.constant 16 : i32
      %mul3A_838 = arith.muli %sub3A_648, %mul3A_837 : i32
      %swap3A_839 = arith.constant 11 : i32
      %swap3A_840 = arith.index_cast %swap3A_839 : i32 to index
      %swap3A_841 = arith.index_cast %mul3A_838 : i32 to index
      %swap3A_842 = tpu.vector_load %arg7[%swap3A_840, %swap3A_841] {strides = array<i32>} : memref<16x512xf32, #tpu.memory_space<vmem>>, vector<16xf32>,
      tpu.vector_store %arg7[%swap3A_840, %swap3A_841], %gather3A_836 {strides = array<i32>} : memref<16x512xf32, #tpu.memory_space<vmem>>, vector<16xf32>,
      %mul3A_843 = arith.constant 12 : i32
      %mul3A_844 = vector.broadcast %mul3A_843 : i32 to vector<16xi32>
      %mul3A_845 = arith.muli %broadcast_in_dim3A_676, %mul3A_844 : vector<16xi32>
      %gather3A_846 = arith.constant 0 : i32
      %gather3A_847 = arith.constant 0 : i32
      %gather3A_848 = tpu.memref_slice %arg6[%rem3A_651, %gather3A_846, %gather3A_847] : memref<3x16x2048xf32, #tpu.memory_space<vmem>> -> memref<1x16x2048xf32, #tpu.memory_space<vmem>>
      %gather3A_849 = tpu.memref_squeeze %gather3A_848 : memref<1x16x2048xf32, #tpu.memory_space<vmem>> -> memref<16x2048xf32, #tpu.memory_space<vmem>>
      %gather3A_850 = tpu.vector_load_idx %gather3A_849[%mul3A_845, %add3A_675] : memref<16x2048xf32, #tpu.memory_space<vmem>>[vector<16xi32>, vector<16xi32>], vector<16xf32>,
      %mul3A_851 = arith.constant 16 : i32
      %mul3A_852 = arith.muli %sub3A_648, %mul3A_851 : i32
      %swap3A_853 = arith.constant 12 : i32
      %swap3A_854 = arith.index_cast %swap3A_853 : i32 to index
      %swap3A_855 = arith.index_cast %mul3A_852 : i32 to index
      %swap3A_856 = tpu.vector_load %arg7[%swap3A_854, %swap3A_855] {strides = array<i32>} : memref<16x512xf32, #tpu.memory_space<vmem>>, vector<16xf32>,
      tpu.vector_store %arg7[%swap3A_854, %swap3A_855], %gather3A_850 {strides = array<i32>} : memref<16x512xf32, #tpu.memory_space<vmem>>, vector<16xf32>,
      %mul3A_857 = arith.constant 13 : i32
      %mul3A_858 = vector.broadcast %mul3A_857 : i32 to vector<16xi32>
      %mul3A_859 = arith.muli %broadcast_in_dim3A_676, %mul3A_858 : vector<16xi32>
      %gather3A_860 = arith.constant 0 : i32
      %gather3A_861 = arith.constant 0 : i32
      %gather3A_862 = tpu.memref_slice %arg6[%rem3A_651, %gather3A_860, %gather3A_861] : memref<3x16x2048xf32, #tpu.memory_space<vmem>> -> memref<1x16x2048xf32, #tpu.memory_space<vmem>>
      %gather3A_863 = tpu.memref_squeeze %gather3A_862 : memref<1x16x2048xf32, #tpu.memory_space<vmem>> -> memref<16x2048xf32, #tpu.memory_space<vmem>>
      %gather3A_864 = tpu.vector_load_idx %gather3A_863[%mul3A_859, %add3A_675] : memref<16x2048xf32, #tpu.memory_space<vmem>>[vector<16xi32>, vector<16xi32>], vector<16xf32>,
      %mul3A_865 = arith.constant 16 : i32
      %mul3A_866 = arith.muli %sub3A_648, %mul3A_865 : i32
      %swap3A_867 = arith.constant 13 : i32
      %swap3A_868 = arith.index_cast %swap3A_867 : i32 to index
      %swap3A_869 = arith.index_cast %mul3A_866 : i32 to index
      %swap3A_870 = tpu.vector_load %arg7[%swap3A_868, %swap3A_869] {strides = array<i32>} : memref<16x512xf32, #tpu.memory_space<vmem>>, vector<16xf32>,
      tpu.vector_store %arg7[%swap3A_868, %swap3A_869], %gather3A_864 {strides = array<i32>} : memref<16x512xf32, #tpu.memory_space<vmem>>, vector<16xf32>,
      %mul3A_871 = arith.constant 14 : i32
      %mul3A_872 = vector.broadcast %mul3A_871 : i32 to vector<16xi32>
      %mul3A_873 = arith.muli %broadcast_in_dim3A_676, %mul3A_872 : vector<16xi32>
      %gather3A_874 = arith.constant 0 : i32
      %gather3A_875 = arith.constant 0 : i32
      %gather3A_876 = tpu.memref_slice %arg6[%rem3A_651, %gather3A_874, %gather3A_875] : memref<3x16x2048xf32, #tpu.memory_space<vmem>> -> memref<1x16x2048xf32, #tpu.memory_space<vmem>>
      %gather3A_877 = tpu.memref_squeeze %gather3A_876 : memref<1x16x2048xf32, #tpu.memory_space<vmem>> -> memref<16x2048xf32, #tpu.memory_space<vmem>>
      %gather3A_878 = tpu.vector_load_idx %gather3A_877[%mul3A_873, %add3A_675] : memref<16x2048xf32, #tpu.memory_space<vmem>>[vector<16xi32>, vector<16xi32>], vector<16xf32>,
      %mul3A_879 = arith.constant 16 : i32
      %mul3A_880 = arith.muli %sub3A_648, %mul3A_879 : i32
      %swap3A_881 = arith.constant 14 : i32
      %swap3A_882 = arith.index_cast %swap3A_881 : i32 to index
      %swap3A_883 = arith.index_cast %mul3A_880 : i32 to index
      %swap3A_884 = tpu.vector_load %arg7[%swap3A_882, %swap3A_883] {strides = array<i32>} : memref<16x512xf32, #tpu.memory_space<vmem>>, vector<16xf32>,
      tpu.vector_store %arg7[%swap3A_882, %swap3A_883], %gather3A_878 {strides = array<i32>} : memref<16x512xf32, #tpu.memory_space<vmem>>, vector<16xf32>,
      %mul3A_885 = arith.constant 15 : i32
      %mul3A_886 = vector.broadcast %mul3A_885 : i32 to vector<16xi32>
      %mul3A_887 = arith.muli %broadcast_in_dim3A_676, %mul3A_886 : vector<16xi32>
      %gather3A_888 = arith.constant 0 : i32
      %gather3A_889 = arith.constant 0 : i32
      %gather3A_890 = tpu.memref_slice %arg6[%rem3A_651, %gather3A_888, %gather3A_889] : memref<3x16x2048xf32, #tpu.memory_space<vmem>> -> memref<1x16x2048xf32, #tpu.memory_space<vmem>>
      %gather3A_891 = tpu.memref_squeeze %gather3A_890 : memref<1x16x2048xf32, #tpu.memory_space<vmem>> -> memref<16x2048xf32, #tpu.memory_space<vmem>>
      %gather3A_892 = tpu.vector_load_idx %gather3A_891[%mul3A_887, %add3A_675] : memref<16x2048xf32, #tpu.memory_space<vmem>>[vector<16xi32>, vector<16xi32>], vector<16xf32>,
      %mul3A_893 = arith.constant 16 : i32
      %mul3A_894 = arith.muli %sub3A_648, %mul3A_893 : i32
      %swap3A_895 = arith.constant 15 : i32
      %swap3A_896 = arith.index_cast %swap3A_895 : i32 to index
      %swap3A_897 = arith.index_cast %mul3A_894 : i32 to index
      %swap3A_898 = tpu.vector_load %arg7[%swap3A_896, %swap3A_897] {strides = array<i32>} : memref<16x512xf32, #tpu.memory_space<vmem>>, vector<16xf32>,
      tpu.vector_store %arg7[%swap3A_896, %swap3A_897], %gather3A_892 {strides = array<i32>} : memref<16x512xf32, #tpu.memory_space<vmem>>, vector<16xf32>,
    }
    %scan3A_644 = arith.constant 32 : i32
    "tpu.region"() ({
      %run_scoped3A = tpu.sem_alloc : memref<!tpu.dma_semaphore, #tpu.memory_space<semaphore_mem>>
      %dma_start3A_645 = arith.constant 0 : i32
      %dma_start3A_646 = tpu.memref_slice %arg4[%dma_start3A_645, %mul3A_2] : memref<16x16384xf32, #tpu.memory_space<hbm>> -> memref<16x512xf32, #tpu.memory_space<hbm>>
      %dma_start3A_647 = arith.constant 0 : i32
      %dma_start3A_648 = tpu.memref_slice %arg4[%dma_start3A_647, %mul3A_2] : memref<16x16384xf32, #tpu.memory_space<hbm>> -> memref<16x512xf32, #tpu.memory_space<hbm>>
      tpu.enqueue_dma source(%arg7 : memref<16x512xf32, #tpu.memory_space<vmem>>) target(%dma_start3A_648 : memref<16x512xf32, #tpu.memory_space<hbm>>) target_semaphore(%run_scoped3A : memref<!tpu.dma_semaphore, #tpu.memory_space<semaphore_mem>>)
      %dma_wait3A = arith.constant 0 : i32
      %dma_wait3A_649 = tpu.memref_slice %arg4[%dma_wait3A, %mul3A_2] : memref<16x16384xf32, #tpu.memory_space<hbm>> -> memref<16x512xf32, #tpu.memory_space<hbm>>
      %dma_wait3A_650 = arith.constant 0 : i32
      %dma_wait3A_651 = tpu.memref_slice %arg4[%dma_wait3A_650, %mul3A_2] : memref<16x16384xf32, #tpu.memory_space<hbm>> -> memref<16x512xf32, #tpu.memory_space<hbm>>
      tpu.wait_dma2 semaphore(%run_scoped3A : memref<!tpu.dma_semaphore, #tpu.memory_space<semaphore_mem>>) src(%arg7 : memref<16x512xf32, #tpu.memory_space<vmem>>) dst(%dma_wait3A_651 : memref<16x512xf32, #tpu.memory_space<hbm>>)
      tpu.yield
    }) : () -> ()
    return
  }
}

</mosaic_0001>

<sc_bundles>
// kernel: kernel.3.cloned.1.call-start
scs
__scs_entry_jumppad:
0x0: {  	(pc) =	sbr.rel $0x88, $3  }
0x1: {  	(tag) =	ssettag $0x0;
	lr =	simm.s32 $0x1  }
0x2: {  	[smem:$0x3F9F] =	sst lr;
	_ =	strace $0xD0000000  }
0x3: {  	_ = 	snop  }
0x4: {  	_ = 	snop  }
0x5: {  	_ = 	snop  }
0x6: {  	_ = 	snop  }
0x7: {  	_ = 	snop  }
__scs_overlays_trampoline_lowered:
0x8: {  	[smem:$0x3FAE] =	sst s0  }
0x9: {  	[smem:$0x3FAF] =	sst s1  }
0xa: {  	[smem:$0x3FB0] =	sst s2  }
0xb: {  	[smem:$0x3FB1] =	sst s3  }
0xc: {  	[smem:$0x3FB2] =	sst s4  }
0xd: {  	[smem:$0x3FB3] =	sst s5  }
0xe: {  	[smem:$0x3FB4] =	sst s6  }
0xf: {  	[smem:$0x3FB5] =	sst s7  }
0x10: {  	[smem:$0x3FB6] =	sst s8  }
0x11: {  	[smem:$0x3FB7] =	sst s9;
	s0 =	simm.s32 @!p0 $0x0  }
0x12: {  	s1 =	sld [smem:$0x3F9D];
	s0 =	simm.s32 @p0 $0x1  }
0x13: {  	[smem:$0x3FB8] =	sst s0;
	s0 =	simm.s32 @!p1 $0x0  }
0x14: {  	s2 =	sld [smem:$0x3F9C];
	s0 =	simm.s32 @p1 $0x1  }
0x15: {  	[smem:$0x3FB9] =	sst s0;
	s0 =	simm.s32 @!p2 $0x0  }
0x16: {  	s3 =	sld [smem:$0x3FDB];
	s0 =	simm.s32 @p2 $0x1  }
0x17: {  	s4 =	simm.s32 $0x1BF5;
	[smem:$0x3FBB] =	sst s0  }
0x18: {  	s0 =	sld [smem:$0x3F9E];
	_ =	swait.ge [sflag:s4], $0x0  }
0x19: {  	s7 =	sld [smem:$0x3F9F]  }
0x1a: {  	s8 =	sadd.s32 $0xFFFFE003, lr  }
0x1b: {  	s9 =	sadd.s32 $0xFFFFFEF7, lr;
	s5 =	simm.s32 $0xFFFFFFFF;
	p2 =	slt.u32 s8, $0xFFFFF086  }
0x1c: {  	p1 =	slt.u32 s9, $0xF7A;
	s5 =	simm.s32 @!p2 $0x0  }
0x1d: {  	s5 =	simm.s32 @p1 $0x1;
	p0 =	seq.s32 s7, s2  }
0x1e: {  	s7 =	smul.u32 @!p0 $0xF7A, s2;
	p2 =	seq.s32 @!p0 s5, $0x0  }
0x1f: {  	s9 =	smul.u32 $0xF7A, s1;
	s8 =	simm.s32 @!p0 $0x1BF5;
	p2 =	por !p2, p0  }
0x20: {  	[sflag:s8] =	ssyncset.s32 @!p0 $0xFFFFF086;
	s6 =	sadd.s32 @!p0 s3, s7;
	s7 =	simm.s32 @!p0 $0x108  }
0x21: {  	s3 =	sadd.s32 s3, s9;
	s6 =	sadd.s32 @!p0 $0x88, s6;
	s7 =	simm.s32 @p2 $0x1082  }
0x22: {  	[simem:s7], [sflag:s8] =	dma.local @!p0 [hbm:s6], $0xF7A  }
0x23: {  	s9 =	sor.u32 $0xD0000000, s2;
	s6 =	simm.s32 $0x108;
	_ =	swait.ge @!p0 [sflag:s8], $0x0  }
0x24: {  	s3 =	sadd.s32 $0x88, s3;
	s6 =	simm.s32 @!p1 $0x1082;
	[sflag:s4] =	ssyncset.s32 $0xFFFFF086  }
0x25: {  	[simem:s6], [sflag:s4] =	dma.local [hbm:s3], $0xF7A  }
0x26: {  	[smem:$0x3F9F] =	sst s1;
	(tag) =	ssettag s2;
	_ =	strace s9  }
0x27: {  	s1 =	sld [smem:$0x3FAF]  }
0x28: {  	s2 =	sld [smem:$0x3FB0]  }
0x29: {  	s4 =	sld [smem:$0x3FB2]  }
0x2a: {  	p0 =	seq.s32 s5, $0x0;
	s5 =	sld [smem:$0x3FB3]  }
0x2b: {  	s6 =	sld [smem:$0x3FB4]  }
0x2c: {  	s7 =	sld [smem:$0x3FB5]  }
0x2d: {  	s3 =	simm.s32 $0x108;
	s8 =	sld [smem:$0x3FB6]  }
0x2e: {  	s3 =	simm.s32 @!p0 $0x1082;
	s9 =	sld [smem:$0x3FB7]  }
0x2f: {  	lr =	sadd.s32 s0, s3;
	s0 =	sld [smem:$0x3FAE]  }
0x30: {  	s3 =	sld [smem:$0x3FB1]  }
0x31: {  	[smem:$0x3FBA] =	sst s10  }
0x32: {  	s10 =	sld [smem:$0x3FB8];
	_ =	sdelay $0x3  }
0x33: {  	p0 =	seq.s32 s10, $0x1;
	s10 =	sld [smem:$0x3FBA];
	_ =	sdelay $0x3  }
0x34: {  	[smem:$0x3FBA] =	sst s10  }
0x35: {  	s10 =	sld [smem:$0x3FB9];
	_ =	sdelay $0x3  }
0x36: {  	p1 =	seq.s32 s10, $0x1;
	s10 =	sld [smem:$0x3FBA];
	_ =	sdelay $0x3  }
0x37: {  	[smem:$0x3FBA] =	sst s10  }
0x38: {  	s10 =	sld [smem:$0x3FBB]  }
0x39: {  	_ = 	snop;
	(pc) =	sbr.ind lr, $3  }
0x3a: {  	_ = 	snop  }
0x3b: {  	_ = 	snop  }
0x3c: {  	p2 =	seq.s32 s10, $0x1;
	s10 =	sld [smem:$0x3FBA]  }
0x3d: {  	_ =	shalt  }
0x3e: {  	_ =	shalt  }
0x3f: {  	_ =	shalt  }
0x40: {  	_ =	shalt  }
0x41: {  	_ =	shalt  }
0x42: {  	_ =	shalt  }
0x43: {  	_ =	shalt  }
0x44: {  	_ =	shalt  }
0x45: {  	_ =	shalt  }
0x46: {  	_ =	shalt  }
0x47: {  	_ =	shalt  }
0x48: {  	_ =	shalt  }
0x49: {  	_ =	shalt  }
0x4a: {  	_ =	shalt  }
0x4b: {  	_ =	shalt  }
0x4c: {  	_ =	shalt  }
0x4d: {  	_ =	shalt  }
0x4e: {  	_ =	shalt  }
0x4f: {  	_ =	shalt  }
0x50: {  	_ =	shalt  }
0x51: {  	_ =	shalt  }
0x52: {  	_ =	shalt  }
0x53: {  	_ =	shalt  }
0x54: {  	_ =	shalt  }
0x55: {  	_ =	shalt  }
0x56: {  	_ =	shalt  }
0x57: {  	_ =	shalt  }
0x58: {  	_ =	shalt  }
0x59: {  	_ =	shalt  }
0x5a: {  	_ =	shalt  }
0x5b: {  	_ =	shalt  }
0x5c: {  	_ =	shalt  }
0x5d: {  	_ =	shalt  }
0x5e: {  	_ =	shalt  }
0x5f: {  	_ =	shalt  }
0x60: {  	_ =	shalt  }
0x61: {  	_ =	shalt  }
0x62: {  	_ =	shalt  }
0x63: {  	_ =	shalt  }
0x64: {  	_ =	shalt  }
0x65: {  	_ =	shalt  }
0x66: {  	_ =	shalt  }
0x67: {  	_ =	shalt  }
0x68: {  	_ =	shalt  }
0x69: {  	_ =	shalt  }
0x6a: {  	_ =	shalt  }
0x6b: {  	_ =	shalt  }
0x6c: {  	_ =	shalt  }
0x6d: {  	_ =	shalt  }
0x6e: {  	_ =	shalt  }
0x6f: {  	_ =	shalt  }
0x70: {  	_ =	shalt  }
0x71: {  	_ =	shalt  }
0x72: {  	_ =	shalt  }
0x73: {  	_ =	shalt  }
0x74: {  	_ =	shalt  }
0x75: {  	_ =	shalt  }
0x76: {  	_ =	shalt  }
0x77: {  	_ =	shalt  }
0x78: {  	_ =	shalt  }
0x79: {  	_ =	shalt  }
0x7a: {  	_ =	shalt  }
0x7b: {  	_ =	shalt  }
0x7c: {  	_ =	shalt  }
0x7d: {  	_ =	shalt  }
0x7e: {  	_ =	shalt  }
0x7f: {  	_ =	shalt  }
0x80: {  	_ =	shalt  }
0x81: {  	_ =	shalt  }
0x82: {  	_ =	shalt  }
0x83: {  	_ =	shalt  }
0x84: {  	_ =	shalt  }
0x85: {  	_ =	shalt  }
0x86: {  	_ =	shalt  }
0x87: {  	_ =	shalt  }
.Lfunc_end0:
.L_simem_size_0:
called_computation_lowered:
.L_overlay_start_0:
0x88: {  	s2 =	sld [smem:$0x3FD9]  }
0x89: {  	s3 =	sld [smem:$0x3FFE];
	_ =	sdelay $0x1  }
0x8a: {  	s1 =	srdreg.scid  }
0x8b: {  	s0 =	sand.u32 $0x1, s1  }
0x8c: {  	s18 =	sshll.u32 s0, $0xA;
	s2 =	sadd.s32 s3, s2  }
0x8d: {  	s2 =	sadd.s32 s2, s18  }
0x8e: {  	[smem:$0x3FC6] =	sst s2  }
0x8f: {  	_ = 	snop  }
0x90: {  	s2 =	sld [smem:$0x3FC9]  }
0x91: {  	s19 =	sld [smem:$0x3FC8]  }
0x92: {  	s4 =	sld [smem:$0x3FD0];
	(tm) =	ssettm $0x1  }
0x93: {  	s5 =	sld [smem:$0x3FFB];
	_ =	sdelay $0x3  }
0x94: {  	_ =	strace s5  }
0x95: {  	s5 =	sld [smem:$0x3FFC];
	_ =	sdelay $0x3  }
0x96: {  	_ =	strace s5  }
0x97: {  	s5 =	sld [smem:$0x3FFD];
	_ =	sdelay $0x3  }
0x98: {  	_ =	strace s5  }
0x99: {  	_ =	strace $0x8FFFFFFF  }
0x9a: {  	s20 =	sld [smem:$0x3FDB];
	_ =	sdelay $0x1  }
0x9b: {  	s6 =	simm.s32 $_scs_section_size  }
0x9c: {  	s7 =	simm.s32 $_size__tile_overlayer_lowered;
	s8 =	simm.s32 $_tile_overlayer_lowered  }
0x9d: {  	s23 =	simm.s32 $0x1BFF;
	s22 =	sshll.u32 s8, $0x1;
	s5 =	sadd.s32 s6, s20  }
0x9e: {  	s9 =	simm.s32 $0x0;
	s21 =	sshll.u32 s7, $0x1;
	s7 =	sadd.s32 s22, s5  }
0x9f: {  	[timem:s9], [sflag:s23] =	dma.local [hbm:s7], s21  }
0xa0: {  	_ =	swait.ge [sflag:s23], s21  }
0xa1: {  	s6 =	ssub.s32 $0x0, s21;
	[sflag:s23] =	ssyncset.done $0x0  }
0xa2: {  	[sflag:s23] =	ssyncadd.s32 s6;
	_ =	sdelay $0x1  }
0xa3: {  	s24 =	simm.s32 $0x1B8B  }
0xa4: {  	_ =	swait.ge [sflag:s24], $0x1  }
0xa5: {  	[sflag:s24] =	ssyncset.done $0x0  }
0xa6: {  	s25 =	simm.s32 $0x1B8E;
	[sflag:s24] =	ssyncadd.s32 $0xFFFFFFFF  }
0xa7: {  	s26 =	simm.s32 $execute0_lowered;
	[smem:$0x3FD2] =	sst s25  }
0xa8: {  	s6 =	sshll.u32 s26, $0x1;
	_ =	strace $0x80000046;
	[dreg:$0x1] =	wrdreg $0xFFFFFFFF  }
0xa9: {  	s28 =	simm.s32 $_size_execute0_lowered;
	s5 =	sadd.s32 s5, s6;
	[dreg:$0x0] =	wrdreg $0x0  }
0xaa: {  	s6 =	sshll.u32 s28, $0x1;
	[dreg:$0x2] =	wrdreg s5  }
0xab: {  	[dreg:$0x3] =	wrdreg s6  }
0xac: {  	[dreg:$0x4] =	wrdreg $0xC0  }
0xad: {  	_ =	task [dreg:s9], $0x5FFFF  }
0xae: {  	[dreg:$0x1] =	wrdreg $0xFFFFFFFF  }
0xaf: {  	[dreg:$0x0] =	wrdreg $0x60  }
0xb0: {  	[dreg:$0x2] =	wrdreg s19  }
0xb1: {  	[dreg:$0x3] =	wrdreg s2  }
0xb2: {  	[dreg:$0x4] =	wrdreg s4  }
0xb3: {  	[dreg:$0x5] =	wrdreg $0x9  }
0xb4: {  	_ =	task.clear_ibuf [dreg:s9], $0x6FFFF;
	_ =	strace $0x90000046  }
0xb5: {  	s29 =	simm.s32 $0x9;
	_ =	strace $0x80000048  }
0xb6: {  	_ =	swait.ge [sflag:s29], $0x1  }
0xb7: {  	[sflag:s29] =	ssyncadd.s32 $0xFFFFFFFF  }
0xb8: {  	_ =	strace $0x90000048  }
0xb9: {  	_ =	sfence  }
0xba: {  	s30 =	sld [smem:$0x0];
	_ =	sdelay $0x2  }
0xbb: {  	s31 =	sshll.u32 s1, $0xD;
	s1 =	sshrl.u32 s1, $0x2  }
0xbc: {  	s3 =	sand.u32 $0x4000, s31;
	s1 =	sadd.s32 s1, s30  }
0xbd: {  	s0 =	sor.u32 s3, s0;
	s1 =	sshll.u32 s1, $0x11  }
0xbe: {  	s0 =	sor.u32 s1, s0  }
0xbf: {  	s0 =	sadd.s32 $0x8F2B, s0  }
0xc0: {  	[sflag:s0] =	ssyncadd.remote.s32 $0x1  }
0xc1: {  	_ =	sfence.sel $0xFFFF  }
0xc2: {  	[dreg:$0x0] =	wrdreg $0xFFFFFFFF;
	(pc) =	sbr.abs _section_cstart, $3  }
0xc3: {  	[dreg:$0x1] =	wrdreg $0xFFFFFFFF  }
0xc4: {  	_ =	task.clear_ibuf [dreg:s9], $0x2FFFF;
	_ =	strace $0x9FFFFFFF  }
0xc5: {  	(tm) =	ssettm $0x7FFFFFFF  }
tec
execute0_lowered:
.L_overlay_start_1:
0x0: {  	(tag) =	ssettag $0x1  }
0x1: {  	s2 =	rddreg [dreg:$0x0]  }
0x2: {  	s0 =	rddreg [dreg:$0x1];
	s1 =	srdreg.scid  }
0x3: {  	s5 =	rddreg [dreg:$0x2];
	s3 =	stileid.u32;
	s9 =	simm.s32 $0xAE00  }
0x4: {  	s10 =	simm.s32 $0xEE00;
	s11 =	simm.s32 $0xB200;
	s12 =	simm.s32 $0xF200  }
0x5: {  	s13 =	simm.s32 $0xB600;
	s14 =	simm.s32 $0xF600;
	s15 =	simm.s32 $0xBA00  }
0x6: {  	s16 =	simm.s32 $0xFA00;
	s17 =	simm.s32 $0xBE00;
	s18 =	simm.s32 $0xFE00  }
0x7: {  	s19 =	simm.s32 $0x1;
	s20 =	simm.s32 $0x1000;
	s21 =	simm.s32 $0x20000  }
0x8: {  	s22 =	simm.s32 $0x18200;
	s23 =	simm.s32 $0x2;
	s24 =	simm.s32 $0x0  }
.Ltmp0:
0x9: {  	s1 =	sand.u32 $0x1, s1;
	s4 =	sshll.u32 s3, $0xA;
	(pc) =	sbr.rel .LBB2_1-.Ltmp0, $4  }
0xa: {  	s3 =	simm.s32 $0x0;
	s6 =	sshll.u32 s1, $0x9;
	s1 =	ssub.s32 $0x2, s1  }
0xb: {  	[smem:$0x7FF] =	sst s3;
	s6 =	sor.u32 s6, s4;
	s31 =	sshrl.u32 s1, $0x1  }
0xc: {  	v0 =	vlaneseq.u32;
	_ =	strace $0x80000047;
	s7 =	sshrl.u32 s6, $0x3;
	s1 =	ssub.s32 s1, s31  }
0xd: {  	v0 =	vmul.u32 $0x400, v0;
	s5 =	sadd.s32 s5, s6;
	s4 =	sadd.s32 s0, s7;
	s6 =	smax.u32 s1, $0x1  }
.LBB2_5:
0xe: {  	s24 =	sadd.s32 $0x1, s24  }
0xf: {  	p0 =	sne.s32 s24, s6  }
.Ltmp1:
0x10: {  	_ = 	snop;
	(pc) =	sbr.rel @!p0 .LBB2_6-.Ltmp1, $4  }
0x11: {  	[hbm4b:s5+s20] =	stream.strided.scatter [tilespmem:s22], [sflag:$0x2], $0x2000, s21, s20, $0x38;
	[tilespmem:$0x1A200] =	vst v63  }
0x12: {  	_ =	swait.ge [sflag:s23], $0x2000  }
0x13: {  	[sflag:s23] =	ssyncset.done $0x0  }
0x14: {  	[sflag:s23] =	ssyncadd.s32 $0xFFFFE000  }
.LBB2_1:
0x15: {  	[tilespmem:s3], [sflag:$0x2] =	stream.linear.gather [hbm4b:s4+s3], $0x200, $0x38;
	[tilespmem:$0x1A200] =	vst v63  }
0x16: {  	_ =	swait.ge [sflag:s23], $0x200  }
0x17: {  	[sflag:s23] =	ssyncset.done $0x0  }
0x18: {  	[sflag:s23] =	ssyncadd.s32 $0xFFFFFE00  }
0x19: {  	v1 =	vld [tilespmem:$0x0];
	_ =	sdelay $0x4  }
0x1a: {  	(v2sf) =	vpush v1, $0x0;
	_ =	sdelay $0x3  }
0x1b: {  	(v2sf) =	vpush v1, $0x1;
	_ =	sdelay $0x4  }
0x1c: {  	(v2sf) =	vpush v1, $0x2;
	_ =	sdelay $0x5  }
0x1d: {  	s0 =	spop (v2sf)  }
0x1e: {  	(v2sf) =	vpush v1, $0x3;
	s0 =	sand.u32 $0xFFFFF80, s0  }
0x1f: {  	s1 =	simm.s32 $0x200;
	s0 =	sadd.s32 s2, s0  }
0x20: {  	[tilespmem:s1], [sflag:$0x1] =	stream.linear.gather [hbm4b:s0+s3], $0x400, $0x38;
	[tilespmem:$0x1A200] =	vst v63  }
0x21: {  	s26 =	simm.s32 $0x4200;
	s0 =	sadd.s32 $0xF4280, s0;
	s1 =	spop (v2sf)  }
0x22: {  	(v2sf) =	vpush v1, $0x4;
	[tilespmem:s26], [sflag:$0x1] =	stream.linear.gather [hbm4b:s0+s3], $0x400, $0x38;
	[tilespmem:$0x1A200] =	vst v63  }
0x23: {  	s0 =	sand.u32 $0xFFFFF80, s1  }
0x24: {  	s7 =	simm.s32 $0x600;
	s0 =	sadd.s32 s2, s0  }
0x25: {  	[tilespmem:s7], [sflag:$0x1] =	stream.linear.gather [hbm4b:s0+s3], $0x400, $0x38;
	[tilespmem:$0x1A200] =	vst v63  }
0x26: {  	s8 =	simm.s32 $0x4600;
	s25 =	spop (v2sf);
	s0 =	sadd.s32 $0xF4280, s0  }
0x27: {  	(v2sf) =	vpush v1, $0x5;
	[tilespmem:s8], [sflag:$0x1] =	stream.linear.gather [hbm4b:s0+s3], $0x400, $0x38;
	[tilespmem:$0x1A200] =	vst v63  }
0x28: {  	s0 =	sand.u32 $0xFFFFF80, s25  }
0x29: {  	s26 =	simm.s32 $0xA00;
	s0 =	sadd.s32 s2, s0  }
0x2a: {  	[tilespmem:s26], [sflag:$0x1] =	stream.linear.gather [hbm4b:s0+s3], $0x400, $0x38;
	[tilespmem:$0x1A200] =	vst v63  }
0x2b: {  	s7 =	simm.s32 $0x4A00;
	s0 =	sadd.s32 $0xF4280, s0  }
0x2c: {  	[tilespmem:s7], [sflag:$0x1] =	stream.linear.gather [hbm4b:s0+s3], $0x400, $0x38;
	[tilespmem:$0x1A200] =	vst v63  }
0x2d: {  	s8 =	spop (v2sf)  }
0x2e: {  	(v2sf) =	vpush v1, $0x6;
	s0 =	sand.u32 $0xFFFFF80, s8  }
0x2f: {  	s25 =	simm.s32 $0xE00;
	s0 =	sadd.s32 s2, s0  }
0x30: {  	[tilespmem:s25], [sflag:$0x1] =	stream.linear.gather [hbm4b:s0+s3], $0x400, $0x38;
	[tilespmem:$0x1A200] =	vst v63  }
0x31: {  	s26 =	simm.s32 $0x4E00;
	s0 =	sadd.s32 $0xF4280, s0;
	s1 =	spop (v2sf)  }
0x32: {  	(v2sf) =	vpush v1, $0x7;
	[tilespmem:s26], [sflag:$0x1] =	stream.linear.gather [hbm4b:s0+s3], $0x400, $0x38;
	[tilespmem:$0x1A200] =	vst v63  }
0x33: {  	s0 =	sand.u32 $0xFFFFF80, s1  }
0x34: {  	s7 =	simm.s32 $0x1200;
	s0 =	sadd.s32 s2, s0  }
0x35: {  	[tilespmem:s7], [sflag:$0x1] =	stream.linear.gather [hbm4b:s0+s3], $0x400, $0x38;
	[tilespmem:$0x1A200] =	vst v63  }
0x36: {  	s8 =	simm.s32 $0x5200;
	s25 =	spop (v2sf);
	s0 =	sadd.s32 $0xF4280, s0  }
0x37: {  	(v2sf) =	vpush v1, $0x8;
	[tilespmem:s8], [sflag:$0x1] =	stream.linear.gather [hbm4b:s0+s3], $0x400, $0x38;
	[tilespmem:$0x1A200] =	vst v63  }
0x38: {  	s0 =	sand.u32 $0xFFFFF80, s25  }
0x39: {  	s26 =	simm.s32 $0x1600;
	s0 =	sadd.s32 s2, s0  }
0x3a: {  	[tilespmem:s26], [sflag:$0x1] =	stream.linear.gather [hbm4b:s0+s3], $0x400, $0x38;
	[tilespmem:$0x1A200] =	vst v63  }
0x3b: {  	s7 =	simm.s32 $0x5600;
	s0 =	sadd.s32 $0xF4280, s0  }
0x3c: {  	[tilespmem:s7], [sflag:$0x1] =	stream.linear.gather [hbm4b:s0+s3], $0x400, $0x38;
	[tilespmem:$0x1A200] =	vst v63  }
0x3d: {  	s8 =	spop (v2sf)  }
0x3e: {  	(v2sf) =	vpush v1, $0x9;
	s0 =	sand.u32 $0xFFFFF80, s8  }
0x3f: {  	s25 =	simm.s32 $0x1A00;
	s0 =	sadd.s32 s2, s0  }
0x40: {  	[tilespmem:s25], [sflag:$0x1] =	stream.linear.gather [hbm4b:s0+s3], $0x400, $0x38;
	[tilespmem:$0x1A200] =	vst v63  }
0x41: {  	s26 =	simm.s32 $0x5A00;
	s0 =	sadd.s32 $0xF4280, s0;
	s1 =	spop (v2sf)  }
0x42: {  	(v2sf) =	vpush v1, $0xA;
	[tilespmem:s26], [sflag:$0x1] =	stream.linear.gather [hbm4b:s0+s3], $0x400, $0x38;
	[tilespmem:$0x1A200] =	vst v63  }
0x43: {  	s0 =	sand.u32 $0xFFFFF80, s1  }
0x44: {  	s7 =	simm.s32 $0x1E00;
	s0 =	sadd.s32 s2, s0  }
0x45: {  	[tilespmem:s7], [sflag:$0x1] =	stream.linear.gather [hbm4b:s0+s3], $0x400, $0x38;
	[tilespmem:$0x1A200] =	vst v63  }
0x46: {  	s8 =	simm.s32 $0x5E00;
	s25 =	spop (v2sf);
	s0 =	sadd.s32 $0xF4280, s0  }
0x47: {  	(v2sf) =	vpush v1, $0xB;
	[tilespmem:s8], [sflag:$0x1] =	stream.linear.gather [hbm4b:s0+s3], $0x400, $0x38;
	[tilespmem:$0x1A200] =	vst v63  }
0x48: {  	s0 =	sand.u32 $0xFFFFF80, s25  }
0x49: {  	s26 =	simm.s32 $0x2200;
	s0 =	sadd.s32 s2, s0  }
0x4a: {  	[tilespmem:s26], [sflag:$0x1] =	stream.linear.gather [hbm4b:s0+s3], $0x400, $0x38;
	[tilespmem:$0x1A200] =	vst v63  }
0x4b: {  	s7 =	simm.s32 $0x6200;
	s0 =	sadd.s32 $0xF4280, s0  }
0x4c: {  	[tilespmem:s7], [sflag:$0x1] =	stream.linear.gather [hbm4b:s0+s3], $0x400, $0x38;
	[tilespmem:$0x1A200] =	vst v63  }
0x4d: {  	s8 =	spop (v2sf)  }
0x4e: {  	(v2sf) =	vpush v1, $0xC;
	s0 =	sand.u32 $0xFFFFF80, s8  }
0x4f: {  	s25 =	simm.s32 $0x2600;
	s0 =	sadd.s32 s2, s0  }
0x50: {  	[tilespmem:s25], [sflag:$0x1] =	stream.linear.gather [hbm4b:s0+s3], $0x400, $0x38;
	[tilespmem:$0x1A200] =	vst v63  }
0x51: {  	s26 =	simm.s32 $0x6600;
	s0 =	sadd.s32 $0xF4280, s0;
	s1 =	spop (v2sf)  }
0x52: {  	(v2sf) =	vpush v1, $0xD;
	[tilespmem:s26], [sflag:$0x1] =	stream.linear.gather [hbm4b:s0+s3], $0x400, $0x38;
	[tilespmem:$0x1A200] =	vst v63  }
0x53: {  	s0 =	sand.u32 $0xFFFFF80, s1  }
0x54: {  	s7 =	simm.s32 $0x2A00;
	s0 =	sadd.s32 s2, s0  }
0x55: {  	[tilespmem:s7], [sflag:$0x1] =	stream.linear.gather [hbm4b:s0+s3], $0x400, $0x38;
	[tilespmem:$0x1A200] =	vst v63  }
0x56: {  	s8 =	simm.s32 $0x6A00;
	s25 =	spop (v2sf);
	s0 =	sadd.s32 $0xF4280, s0  }
0x57: {  	(v2sf) =	vpush v1, $0xE;
	[tilespmem:s8], [sflag:$0x1] =	stream.linear.gather [hbm4b:s0+s3], $0x400, $0x38;
	[tilespmem:$0x1A200] =	vst v63  }
0x58: {  	s0 =	sand.u32 $0xFFFFF80, s25  }
0x59: {  	s26 =	simm.s32 $0x2E00;
	s0 =	sadd.s32 s2, s0  }
0x5a: {  	[tilespmem:s26], [sflag:$0x1] =	stream.linear.gather [hbm4b:s0+s3], $0x400, $0x38;
	[tilespmem:$0x1A200] =	vst v63  }
0x5b: {  	s7 =	simm.s32 $0x6E00;
	s0 =	sadd.s32 $0xF4280, s0  }
0x5c: {  	[tilespmem:s7], [sflag:$0x1] =	stream.linear.gather [hbm4b:s0+s3], $0x400, $0x38;
	[tilespmem:$0x1A200] =	vst v63  }
0x5d: {  	s8 =	spop (v2sf)  }
0x5e: {  	(v2sf) =	vpush v1, $0xF;
	s0 =	sand.u32 $0xFFFFF80, s8  }
0x5f: {  	s25 =	simm.s32 $0x3200;
	s0 =	sadd.s32 s2, s0  }
0x60: {  	[tilespmem:s25], [sflag:$0x1] =	stream.linear.gather [hbm4b:s0+s3], $0x400, $0x38;
	[tilespmem:$0x1A200] =	vst v63  }
0x61: {  	s26 =	simm.s32 $0x7200;
	s0 =	sadd.s32 $0xF4280, s0;
	s1 =	spop (v2sf)  }
0x62: {  	[tilespmem:s26], [sflag:$0x1] =	stream.linear.gather [hbm4b:s0+s3], $0x400, $0x38;
	[tilespmem:$0x1A200] =	vst v63  }
0x63: {  	s0 =	sand.u32 $0xFFFFF80, s1  }
0x64: {  	s7 =	simm.s32 $0x3600;
	s0 =	sadd.s32 s2, s0  }
0x65: {  	[tilespmem:s7], [sflag:$0x1] =	stream.linear.gather [hbm4b:s0+s3], $0x400, $0x38;
	[tilespmem:$0x1A200] =	vst v63  }
0x66: {  	s8 =	simm.s32 $0x7600;
	s25 =	spop (v2sf);
	s0 =	sadd.s32 $0xF4280, s0  }
0x67: {  	[tilespmem:s8], [sflag:$0x1] =	stream.linear.gather [hbm4b:s0+s3], $0x400, $0x38;
	[tilespmem:$0x1A200] =	vst v63  }
0x68: {  	s0 =	sand.u32 $0xFFFFF80, s25  }
0x69: {  	s26 =	simm.s32 $0x3A00;
	s0 =	sadd.s32 s2, s0  }
0x6a: {  	[tilespmem:s26], [sflag:$0x1] =	stream.linear.gather [hbm4b:s0+s3], $0x400, $0x38;
	[tilespmem:$0x1A200] =	vst v63  }
0x6b: {  	s7 =	simm.s32 $0x7A00;
	s0 =	sadd.s32 $0xF4280, s0  }
0x6c: {  	[tilespmem:s7], [sflag:$0x1] =	stream.linear.gather [hbm4b:s0+s3], $0x400, $0x38;
	[tilespmem:$0x1A200] =	vst v63  }
0x6d: {  	s8 =	spop (v2sf)  }
0x6e: {  	s0 =	sand.u32 $0xFFFFF80, s8  }
0x6f: {  	s25 =	simm.s32 $0x3E00;
	s0 =	sadd.s32 s2, s0  }
0x70: {  	[tilespmem:s25], [sflag:$0x1] =	stream.linear.gather [hbm4b:s0+s3], $0x400, $0x38;
	[tilespmem:$0x1A200] =	vst v63  }
0x71: {  	s26 =	simm.s32 $0x7E00;
	s0 =	sadd.s32 $0xF4280, s0  }
0x72: {  	[tilespmem:s26], [sflag:$0x1] =	stream.linear.gather [hbm4b:s0+s3], $0x400, $0x38;
	[tilespmem:$0x1A200] =	vst v63  }
0x73: {  	v1 =	vld [tilespmem:$0x10];
	_ =	sdelay $0x4  }
0x74: {  	(v2sf) =	vpush v1, $0x0;
	_ =	sdelay $0x2  }
0x75: {  	(v2sf) =	vpush v1, $0x1;
	_ =	sdelay $0x3  }
0x76: {  	(v2sf) =	vpush v1, $0x2;
	_ =	sdelay $0x7  }
0x77: {  	s1 =	spop (v2sf);
	(v2sf) =	vpush v1, $0x3;
	_ =	sdelay $0x1  }
0x78: {  	s0 =	sand.u32 $0xFFFFF80, s1  }
0x79: {  	s7 =	simm.s32 $0x8200;
	s25 =	spop (v2sf);
	(v2sf) =	vpush v1, $0x4;
	s0 =	sadd.s32 s2, s0  }
0x7a: {  	[tilespmem:s7], [sflag:$0x1] =	stream.linear.gather [hbm4b:s0+s3], $0x400, $0x38;
	[tilespmem:$0x1A200] =	vst v63  }
0x7b: {  	s8 =	simm.s32 $0xC200;
	s0 =	sadd.s32 $0xF4280, s0  }
0x7c: {  	[tilespmem:s8], [sflag:$0x1] =	stream.linear.gather [hbm4b:s0+s3], $0x400, $0x38;
	[tilespmem:$0x1A200] =	vst v63  }
0x7d: {  	s0 =	sand.u32 $0xFFFFF80, s25;
	s8 =	spop (v2sf);
	(v2sf) =	vpush v1, $0x5  }
0x7e: {  	s26 =	simm.s32 $0x8600;
	s0 =	sadd.s32 s2, s0  }
0x7f: {  	[tilespmem:s26], [sflag:$0x1] =	stream.linear.gather [hbm4b:s0+s3], $0x400, $0x38;
	[tilespmem:$0x1A200] =	vst v63  }
0x80: {  	s7 =	simm.s32 $0xC600;
	s0 =	sadd.s32 $0xF4280, s0  }
0x81: {  	[tilespmem:s7], [sflag:$0x1] =	stream.linear.gather [hbm4b:s0+s3], $0x400, $0x38;
	[tilespmem:$0x1A200] =	vst v63  }
0x82: {  	s0 =	sand.u32 $0xFFFFF80, s8  }
0x83: {  	s25 =	simm.s32 $0x8A00;
	s0 =	sadd.s32 s2, s0  }
0x84: {  	[tilespmem:s25], [sflag:$0x1] =	stream.linear.gather [hbm4b:s0+s3], $0x400, $0x38;
	[tilespmem:$0x1A200] =	vst v63  }
0x85: {  	s26 =	simm.s32 $0xCA00;
	s0 =	sadd.s32 $0xF4280, s0;
	s1 =	spop (v2sf);
	(v2sf) =	vpush v1, $0x6  }
0x86: {  	[tilespmem:s26], [sflag:$0x1] =	stream.linear.gather [hbm4b:s0+s3], $0x400, $0x38;
	[tilespmem:$0x1A200] =	vst v63  }
0x87: {  	s0 =	sand.u32 $0xFFFFF80, s1  }
0x88: {  	s7 =	simm.s32 $0x8E00;
	s25 =	spop (v2sf);
	(v2sf) =	vpush v1, $0x7;
	s0 =	sadd.s32 s2, s0  }
0x89: {  	[tilespmem:s7], [sflag:$0x1] =	stream.linear.gather [hbm4b:s0+s3], $0x400, $0x38;
	[tilespmem:$0x1A200] =	vst v63  }
0x8a: {  	s8 =	simm.s32 $0xCE00;
	s0 =	sadd.s32 $0xF4280, s0  }
0x8b: {  	[tilespmem:s8], [sflag:$0x1] =	stream.linear.gather [hbm4b:s0+s3], $0x400, $0x38;
	[tilespmem:$0x1A200] =	vst v63  }
0x8c: {  	s0 =	sand.u32 $0xFFFFF80, s25;
	s8 =	spop (v2sf);
	(v2sf) =	vpush v1, $0x8  }
0x8d: {  	s26 =	simm.s32 $0x9200;
	s0 =	sadd.s32 s2, s0  }
0x8e: {  	[tilespmem:s26], [sflag:$0x1] =	stream.linear.gather [hbm4b:s0+s3], $0x400, $0x38;
	[tilespmem:$0x1A200] =	vst v63  }
0x8f: {  	s7 =	simm.s32 $0xD200;
	s0 =	sadd.s32 $0xF4280, s0  }
0x90: {  	[tilespmem:s7], [sflag:$0x1] =	stream.linear.gather [hbm4b:s0+s3], $0x400, $0x38;
	[tilespmem:$0x1A200] =	vst v63  }
0x91: {  	s0 =	sand.u32 $0xFFFFF80, s8  }
0x92: {  	s25 =	simm.s32 $0x9600;
	s0 =	sadd.s32 s2, s0  }
0x93: {  	[tilespmem:s25], [sflag:$0x1] =	stream.linear.gather [hbm4b:s0+s3], $0x400, $0x38;
	[tilespmem:$0x1A200] =	vst v63  }
0x94: {  	s26 =	simm.s32 $0xD600;
	s0 =	sadd.s32 $0xF4280, s0;
	s1 =	spop (v2sf);
	(v2sf) =	vpush v1, $0x9  }
0x95: {  	[tilespmem:s26], [sflag:$0x1] =	stream.linear.gather [hbm4b:s0+s3], $0x400, $0x38;
	[tilespmem:$0x1A200] =	vst v63  }
0x96: {  	s0 =	sand.u32 $0xFFFFF80, s1  }
0x97: {  	s7 =	simm.s32 $0x9A00;
	s25 =	spop (v2sf);
	(v2sf) =	vpush v1, $0xA;
	s0 =	sadd.s32 s2, s0  }
0x98: {  	[tilespmem:s7], [sflag:$0x1] =	stream.linear.gather [hbm4b:s0+s3], $0x400, $0x38;
	[tilespmem:$0x1A200] =	vst v63  }
0x99: {  	s8 =	simm.s32 $0xDA00;
	s0 =	sadd.s32 $0xF4280, s0  }
0x9a: {  	[tilespmem:s8], [sflag:$0x1] =	stream.linear.gather [hbm4b:s0+s3], $0x400, $0x38;
	[tilespmem:$0x1A200] =	vst v63  }
0x9b: {  	s0 =	sand.u32 $0xFFFFF80, s25;
	s8 =	spop (v2sf);
	(v2sf) =	vpush v1, $0xB  }
0x9c: {  	s26 =	simm.s32 $0x9E00;
	s0 =	sadd.s32 s2, s0  }
0x9d: {  	[tilespmem:s26], [sflag:$0x1] =	stream.linear.gather [hbm4b:s0+s3], $0x400, $0x38;
	[tilespmem:$0x1A200] =	vst v63  }
0x9e: {  	s7 =	simm.s32 $0xDE00;
	s0 =	sadd.s32 $0xF4280, s0  }
0x9f: {  	[tilespmem:s7], [sflag:$0x1] =	stream.linear.gather [hbm4b:s0+s3], $0x400, $0x38;
	[tilespmem:$0x1A200] =	vst v63  }
0xa0: {  	s0 =	sand.u32 $0xFFFFF80, s8  }
0xa1: {  	s25 =	simm.s32 $0xA200;
	s0 =	sadd.s32 s2, s0  }
0xa2: {  	[tilespmem:s25], [sflag:$0x1] =	stream.linear.gather [hbm4b:s0+s3], $0x400, $0x38;
	[tilespmem:$0x1A200] =	vst v63  }
0xa3: {  	s26 =	simm.s32 $0xE200;
	s0 =	sadd.s32 $0xF4280, s0;
	s1 =	spop (v2sf);
	(v2sf) =	vpush v1, $0xC  }
0xa4: {  	[tilespmem:s26], [sflag:$0x1] =	stream.linear.gather [hbm4b:s0+s3], $0x400, $0x38;
	[tilespmem:$0x1A200] =	vst v63  }
0xa5: {  	s0 =	sand.u32 $0xFFFFF80, s1  }
0xa6: {  	s7 =	simm.s32 $0xA600;
	s25 =	spop (v2sf);
	(v2sf) =	vpush v1, $0xD;
	s0 =	sadd.s32 s2, s0  }
0xa7: {  	[tilespmem:s7], [sflag:$0x1] =	stream.linear.gather [hbm4b:s0+s3], $0x400, $0x38;
	[tilespmem:$0x1A200] =	vst v63  }
0xa8: {  	s8 =	simm.s32 $0xE600;
	s0 =	sadd.s32 $0xF4280, s0  }
0xa9: {  	[tilespmem:s8], [sflag:$0x1] =	stream.linear.gather [hbm4b:s0+s3], $0x400, $0x38;
	[tilespmem:$0x1A200] =	vst v63  }
0xaa: {  	s0 =	sand.u32 $0xFFFFF80, s25;
	s8 =	spop (v2sf);
	(v2sf) =	vpush v1, $0xE  }
0xab: {  	s26 =	simm.s32 $0xAA00;
	s0 =	sadd.s32 s2, s0  }
0xac: {  	[tilespmem:s26], [sflag:$0x1] =	stream.linear.gather [hbm4b:s0+s3], $0x400, $0x38;
	[tilespmem:$0x1A200] =	vst v63  }
0xad: {  	s7 =	simm.s32 $0xEA00;
	s0 =	sadd.s32 $0xF4280, s0  }
0xae: {  	[tilespmem:s7], [sflag:$0x1] =	stream.linear.gather [hbm4b:s0+s3], $0x400, $0x38;
	[tilespmem:$0x1A200] =	vst v63  }
0xaf: {  	s0 =	sand.u32 $0xFFFFF80, s8  }
0xb0: {  	s0 =	sadd.s32 s2, s0  }
0xb1: {  	[tilespmem:s9], [sflag:$0x1] =	stream.linear.gather [hbm4b:s0+s3], $0x400, $0x38;
	[tilespmem:$0x1A200] =	vst v63  }
0xb2: {  	s0 =	sadd.s32 $0xF4280, s0;
	s25 =	spop (v2sf);
	(v2sf) =	vpush v1, $0xF  }
0xb3: {  	[tilespmem:s10], [sflag:$0x1] =	stream.linear.gather [hbm4b:s0+s3], $0x400, $0x38;
	[tilespmem:$0x1A200] =	vst v63  }
0xb4: {  	s0 =	sand.u32 $0xFFFFF80, s25  }
0xb5: {  	s26 =	spop (v2sf);
	s0 =	sadd.s32 s2, s0  }
0xb6: {  	[tilespmem:s11], [sflag:$0x1] =	stream.linear.gather [hbm4b:s0+s3], $0x400, $0x38;
	[tilespmem:$0x1A200] =	vst v63  }
0xb7: {  	s7 =	sand.u32 $0xFFFFF80, s26;
	s0 =	sadd.s32 $0xF4280, s0  }
0xb8: {  	[tilespmem:s12], [sflag:$0x1] =	stream.linear.gather [hbm4b:s0+s3], $0x400, $0x38;
	[tilespmem:$0x1A200] =	vst v63  }
0xb9: {  	s0 =	sadd.s32 s2, s7;
	s8 =	spop (v2sf)  }
0xba: {  	[tilespmem:s13], [sflag:$0x1] =	stream.linear.gather [hbm4b:s0+s3], $0x400, $0x38;
	[tilespmem:$0x1A200] =	vst v63  }
0xbb: {  	s25 =	sand.u32 $0xFFFFF80, s8;
	s0 =	sadd.s32 $0xF4280, s0  }
0xbc: {  	[tilespmem:s14], [sflag:$0x1] =	stream.linear.gather [hbm4b:s0+s3], $0x400, $0x38;
	[tilespmem:$0x1A200] =	vst v63  }
0xbd: {  	s0 =	sadd.s32 s2, s25  }
0xbe: {  	[tilespmem:s15], [sflag:$0x1] =	stream.linear.gather [hbm4b:s0+s3], $0x400, $0x38;
	[tilespmem:$0x1A200] =	vst v63  }
0xbf: {  	s0 =	sadd.s32 $0xF4280, s0  }
0xc0: {  	[tilespmem:s16], [sflag:$0x1] =	stream.linear.gather [hbm4b:s0+s3], $0x400, $0x38;
	[tilespmem:$0x1A200] =	vst v63  }
0xc1: {  	s26 =	spop (v2sf)  }
0xc2: {  	s28 =	simm.s32 $0x18200;
	s0 =	sand.u32 $0xFFFFF80, s26  }
.Ltmp2:
0xc3: {  	s29 =	simm.s32 $0x0;
	s0 =	sadd.s32 s2, s0;
	(pc) =	sbr.rel .LBB2_2-.Ltmp2, $4  }
0xc4: {  	[tilespmem:s17], [sflag:$0x1] =	stream.linear.gather [hbm4b:s0+s3], $0x400, $0x38;
	[tilespmem:$0x1A200] =	vst v63  }
0xc5: {  	s30 =	simm.s32 $0x0;
	s31 =	simm.s32 $0x0;
	s0 =	sadd.s32 $0xF4280, s0  }
0xc6: {  	[tilespmem:s18], [sflag:$0x1] =	stream.linear.gather [hbm4b:s0+s3], $0x400, $0x38;
	[tilespmem:$0x1A200] =	vst v63  }
0xc7: {  	s25 =	simm.s32 $0x20;
	s26 =	simm.s32 $0x3;
	s0 =	simm.s32 $0x2  }
.LBB2_4:
0xc8: {  	_ =	swait.ge [sflag:s19], $0x8000  }
0xc9: {  	[sflag:s19] =	ssyncset.done $0x0  }
0xca: {  	[sflag:s19] =	ssyncadd.s32 $0xFFFF8000  }
0xcb: {  	v1 =	vld [tilespmem:s25+$0xFFFFFFE0];
	_ =	sdelay $0x4  }
0xcc: {  	v2 =	vshra.s32 v1, $0x1F  }
0xcd: {  	v2 =	vshrl.u32 v2, $0x19  }
0xce: {  	v2 =	vadd.s32 v2, v1  }
0xcf: {  	v2 =	vshrl.u32 v2, $0x7  }
0xd0: {  	v2 =	vshll.u32 v2, $0x7  }
0xd1: {  	v1 =	vsub.s32 v1, v2  }
0xd2: {  	v2 =	vshll.u32 v1, $0x3  }
0xd3: {  	s1 =	smulhi.u32 $0xAAAAAAAB, s26;
	v2 =	vadd.s32 v0, v2  }
0xd4: {  	v1 =	vand.u32 $0x7F, v1;
	v2 =	vand.u32 $0xFFFFFC00, v2  }
0xd5: {  	s1 =	sshrl.u32 s1, $0x1;
	v1 =	vor.u32 v1, v2  }
0xd6: {  	s1 =	smul.u32 $0xFFFA0000, s1;
	_ =	sdelay $0x1  }
0xd7: {  	s1 =	sshra.s32 s1, $0x2  }
0xd8: {  	s1 =	sadd.s32 s1, s28  }
0xd9: {  	v2 =	vld.idx.msk [tilespmem:v1+s1+$0x0], $0xffff  }
0xda: {  	v3 =	vor.u32 $0x80, v1;
	_ =	sdelay $0x1  }
0xdb: {  	s7 =	sand.u32 $0x70, s29;
	s8 =	sand.u32 $0xFFFFFC00, s31  }
0xdc: {  	s7 =	sor.u32 s7, s8  }
0xdd: {  	[tilespmem:s7+$0x18200] =	vst v2  }
0xde: {  	v2 =	vld.idx.msk [tilespmem:v3+s1+$0x0], $0xffff  }
0xdf: {  	v3 =	vor.u32 $0x100, v1;
	_ =	sdelay $0x2  }
0xe0: {  	s8 =	sadd.s32 $0x18200, s7  }
0xe1: {  	[tilespmem:s8+$0x80] =	vst v2  }
0xe2: {  	v2 =	vld.idx.msk [tilespmem:v3+s1+$0x0], $0xffff  }
0xe3: {  	v3 =	vor.u32 $0x180, v1;
	_ =	sdelay $0x3  }
0xe4: {  	[tilespmem:s8+$0x100] =	vst v2  }
0xe5: {  	v2 =	vld.idx.msk [tilespmem:v3+s1+$0x0], $0xffff  }
0xe6: {  	v3 =	vor.u32 $0x200, v1;
	_ =	sdelay $0x3  }
0xe7: {  	[tilespmem:s8+$0x180] =	vst v2  }
0xe8: {  	v2 =	vld.idx.msk [tilespmem:v3+s1+$0x0], $0xffff  }
0xe9: {  	v3 =	vor.u32 $0x280, v1;
	_ =	sdelay $0x3  }
0xea: {  	[tilespmem:s8+$0x200] =	vst v2  }
0xeb: {  	v2 =	vld.idx.msk [tilespmem:v3+s1+$0x0], $0xffff  }
0xec: {  	v3 =	vor.u32 $0x300, v1;
	_ =	sdelay $0x3  }
0xed: {  	[tilespmem:s8+$0x280] =	vst v2  }
0xee: {  	v2 =	vld.idx.msk [tilespmem:v3+s1+$0x0], $0xffff  }
0xef: {  	v3 =	vor.u32 $0x380, v1;
	_ =	sdelay $0x3  }
0xf0: {  	[tilespmem:s8+$0x300] =	vst v2  }
0xf1: {  	v2 =	vld.idx.msk [tilespmem:v3+s1+$0x0], $0xffff  }
0xf2: {  	s8 =	sand.u32 $0x7, s30;
	v3 =	vadd.s32 $0x4000, v1  }
0xf3: {  	s8 =	sshll.u32 s8, $0x4  }
0xf4: {  	s8 =	sadd.s32 s8, s31  }
0xf5: {  	s8 =	sor.u32 $0x380, s8  }
0xf6: {  	[tilespmem:s8+$0x18200] =	vst v2  }
0xf7: {  	v2 =	vld.idx.msk [tilespmem:v3+s1+$0x0], $0xffff  }
0xf8: {  	v3 =	vadd.s32 $0x4080, v1;
	_ =	sdelay $0x3  }
0xf9: {  	[tilespmem:s7+$0x19200] =	vst v2  }
0xfa: {  	v2 =	vld.idx.msk [tilespmem:v3+s1+$0x0], $0xffff  }
0xfb: {  	v3 =	vadd.s32 $0x4100, v1;
	_ =	sdelay $0x3  }
0xfc: {  	[tilespmem:s7+$0x19280] =	vst v2  }
0xfd: {  	v2 =	vld.idx.msk [tilespmem:v3+s1+$0x0], $0xffff  }
0xfe: {  	v3 =	vadd.s32 $0x4180, v1;
	_ =	sdelay $0x3  }
0xff: {  	[tilespmem:s7+$0x19300] =	vst v2  }
0x100: {  	v2 =	vld.idx.msk [tilespmem:v3+s1+$0x0], $0xffff  }
0x101: {  	v3 =	vadd.s32 $0x4200, v1;
	_ =	sdelay $0x3  }
0x102: {  	[tilespmem:s7+$0x19380] =	vst v2  }
0x103: {  	v2 =	vld.idx.msk [tilespmem:v3+s1+$0x0], $0xffff  }
0x104: {  	v3 =	vadd.s32 $0x4280, v1;
	_ =	sdelay $0x3  }
0x105: {  	[tilespmem:s7+$0x19400] =	vst v2  }
0x106: {  	v2 =	vld.idx.msk [tilespmem:v3+s1+$0x0], $0xffff  }
0x107: {  	v3 =	vadd.s32 $0x4300, v1;
	_ =	sdelay $0x3  }
0x108: {  	[tilespmem:s7+$0x19480] =	vst v2  }
0x109: {  	v2 =	vld.idx.msk [tilespmem:v3+s1+$0x0], $0xffff  }
0x10a: {  	v1 =	vadd.s32 $0x4380, v1;
	_ =	sdelay $0x3  }
0x10b: {  	s0 =	sadd.s32 $0x1, s0;
	[tilespmem:s7+$0x19500] =	vst v2  }
0x10c: {  	p0 =	sne.s32 s0, $0x22;
	v1 =	vld.idx.msk [tilespmem:v1+s1+$0x0], $0xffff  }
.Ltmp3:
0x10d: {  	_ = 	snop;
	(pc) =	sbr.rel @!p0 .LBB2_5-.Ltmp3, $3  }
0x10e: {  	_ =	sdelay $0x1  }
0x10f: {  	s29 =	sadd.s32 $0x10, s29;
	s26 =	sadd.s32 $0x1, s26;
	s25 =	sadd.s32 $0x10, s25  }
0x110: {  	s28 =	sadd.s32 $0x8000, s28;
	s30 =	sadd.s32 $0x1, s30;
	s31 =	sadd.s32 $0x80, s31;
	[tilespmem:s7+$0x19580] =	vst v1  }
.LBB2_2:
0x111: {  	p0 =	sgt.u32 s0, $0x1F  }
.Ltmp4:
0x112: {  	_ = 	snop;
	(pc) =	sbr.rel @p0 .LBB2_4-.Ltmp4, $1  }
0x113: {  	_ =	sdelay $0x3  }
0x114: {  	v1 =	vld [tilespmem:s25+$0x0];
	_ =	sdelay $0x4  }
0x115: {  	(v2sf) =	vpush v1, $0x0;
	_ =	sdelay $0x5  }
0x116: {  	(v2sf) =	vpush v1, $0x1;
	_ =	sdelay $0x1  }
0x117: {  	s1 =	smul.u32 $0xAB, s0;
	_ =	sdelay $0x1  }
0x118: {  	s1 =	sshrl.u32 s1, $0x9  }
0x119: {  	s1 =	sand.u32 $0x7F, s1  }
0x11a: {  	s1 =	smul.u32 $0x3, s1;
	(v2sf) =	vpush v1, $0x2;
	_ =	sdelay $0x1  }
0x11b: {  	s1 =	ssub.s32 s0, s1  }
0x11c: {  	s1 =	sand.u32 $0xFF, s1;
	s7 =	spop (v2sf)  }
0x11d: {  	s1 =	sshll.u32 s1, $0xF;
	s7 =	sand.u32 $0xFFFFF80, s7  }
0x11e: {  	s8 =	sor.u32 $0x200, s1;
	s7 =	sadd.s32 s2, s7  }
0x11f: {  	(v2sf) =	vpush v1, $0x3;
	[tilespmem:s8], [sflag:$0x1] =	stream.linear.gather [hbm4b:s7+s3], $0x400, $0x38;
	[tilespmem:$0x1A200] =	vst v63  }
0x120: {  	s7 =	sadd.s32 $0xF4280, s7;
	s8 =	sor.u32 $0x4200, s1  }
0x121: {  	[tilespmem:s8], [sflag:$0x1] =	stream.linear.gather [hbm4b:s7+s3], $0x400, $0x38;
	[tilespmem:$0x1A200] =	vst v63  }
0x122: {  	s8 =	spop (v2sf)  }
0x123: {  	s7 =	sand.u32 $0xFFFFF80, s8  }
0x124: {  	s8 =	sor.u32 $0x600, s1;
	s7 =	sadd.s32 s2, s7  }
0x125: {  	(v2sf) =	vpush v1, $0x4;
	[tilespmem:s8], [sflag:$0x1] =	stream.linear.gather [hbm4b:s7+s3], $0x400, $0x38;
	[tilespmem:$0x1A200] =	vst v63  }
0x126: {  	s7 =	sadd.s32 $0xF4280, s7;
	s8 =	sor.u32 $0x4600, s1  }
0x127: {  	[tilespmem:s8], [sflag:$0x1] =	stream.linear.gather [hbm4b:s7+s3], $0x400, $0x38;
	[tilespmem:$0x1A200] =	vst v63  }
0x128: {  	s8 =	spop (v2sf)  }
0x129: {  	s7 =	sand.u32 $0xFFFFF80, s8  }
0x12a: {  	s8 =	sor.u32 $0xA00, s1;
	s7 =	sadd.s32 s2, s7  }
0x12b: {  	(v2sf) =	vpush v1, $0x5;
	[tilespmem:s8], [sflag:$0x1] =	stream.linear.gather [hbm4b:s7+s3], $0x400, $0x38;
	[tilespmem:$0x1A200] =	vst v63  }
0x12c: {  	s7 =	sadd.s32 $0xF4280, s7;
	s8 =	sor.u32 $0x4A00, s1  }
0x12d: {  	[tilespmem:s8], [sflag:$0x1] =	stream.linear.gather [hbm4b:s7+s3], $0x400, $0x38;
	[tilespmem:$0x1A200] =	vst v63  }
0x12e: {  	s8 =	spop (v2sf)  }
0x12f: {  	s7 =	sand.u32 $0xFFFFF80, s8  }
0x130: {  	s8 =	sor.u32 $0xE00, s1;
	s7 =	sadd.s32 s2, s7  }
0x131: {  	(v2sf) =	vpush v1, $0x6;
	[tilespmem:s8], [sflag:$0x1] =	stream.linear.gather [hbm4b:s7+s3], $0x400, $0x38;
	[tilespmem:$0x1A200] =	vst v63  }
0x132: {  	s7 =	sadd.s32 $0xF4280, s7;
	s8 =	sor.u32 $0x4E00, s1  }
0x133: {  	[tilespmem:s8], [sflag:$0x1] =	stream.linear.gather [hbm4b:s7+s3], $0x400, $0x38;
	[tilespmem:$0x1A200] =	vst v63  }
0x134: {  	s8 =	spop (v2sf)  }
0x135: {  	s7 =	sand.u32 $0xFFFFF80, s8  }
0x136: {  	s8 =	sor.u32 $0x1200, s1;
	s7 =	sadd.s32 s2, s7  }
0x137: {  	(v2sf) =	vpush v1, $0x7;
	[tilespmem:s8], [sflag:$0x1] =	stream.linear.gather [hbm4b:s7+s3], $0x400, $0x38;
	[tilespmem:$0x1A200] =	vst v63  }
0x138: {  	s7 =	sadd.s32 $0xF4280, s7;
	s8 =	sor.u32 $0x5200, s1  }
0x139: {  	[tilespmem:s8], [sflag:$0x1] =	stream.linear.gather [hbm4b:s7+s3], $0x400, $0x38;
	[tilespmem:$0x1A200] =	vst v63  }
0x13a: {  	s8 =	spop (v2sf)  }
0x13b: {  	s7 =	sand.u32 $0xFFFFF80, s8  }
0x13c: {  	s8 =	sor.u32 $0x1600, s1;
	s7 =	sadd.s32 s2, s7  }
0x13d: {  	(v2sf) =	vpush v1, $0x8;
	[tilespmem:s8], [sflag:$0x1] =	stream.linear.gather [hbm4b:s7+s3], $0x400, $0x38;
	[tilespmem:$0x1A200] =	vst v63  }
0x13e: {  	s7 =	sadd.s32 $0xF4280, s7;
	s8 =	sor.u32 $0x5600, s1  }
0x13f: {  	[tilespmem:s8], [sflag:$0x1] =	stream.linear.gather [hbm4b:s7+s3], $0x400, $0x38;
	[tilespmem:$0x1A200] =	vst v63  }
0x140: {  	s8 =	spop (v2sf)  }
0x141: {  	s7 =	sand.u32 $0xFFFFF80, s8  }
0x142: {  	s8 =	sor.u32 $0x1A00, s1;
	s7 =	sadd.s32 s2, s7  }
0x143: {  	(v2sf) =	vpush v1, $0x9;
	[tilespmem:s8], [sflag:$0x1] =	stream.linear.gather [hbm4b:s7+s3], $0x400, $0x38;
	[tilespmem:$0x1A200] =	vst v63  }
0x144: {  	s7 =	sadd.s32 $0xF4280, s7;
	s8 =	sor.u32 $0x5A00, s1  }
0x145: {  	[tilespmem:s8], [sflag:$0x1] =	stream.linear.gather [hbm4b:s7+s3], $0x400, $0x38;
	[tilespmem:$0x1A200] =	vst v63  }
0x146: {  	s8 =	spop (v2sf)  }
0x147: {  	s7 =	sand.u32 $0xFFFFF80, s8  }
0x148: {  	s8 =	sor.u32 $0x1E00, s1;
	s7 =	sadd.s32 s2, s7  }
0x149: {  	(v2sf) =	vpush v1, $0xA;
	[tilespmem:s8], [sflag:$0x1] =	stream.linear.gather [hbm4b:s7+s3], $0x400, $0x38;
	[tilespmem:$0x1A200] =	vst v63  }
0x14a: {  	s7 =	sadd.s32 $0xF4280, s7;
	s8 =	sor.u32 $0x5E00, s1  }
0x14b: {  	[tilespmem:s8], [sflag:$0x1] =	stream.linear.gather [hbm4b:s7+s3], $0x400, $0x38;
	[tilespmem:$0x1A200] =	vst v63  }
0x14c: {  	s8 =	spop (v2sf)  }
0x14d: {  	s7 =	sand.u32 $0xFFFFF80, s8  }
0x14e: {  	s8 =	sor.u32 $0x2200, s1;
	s7 =	sadd.s32 s2, s7  }
0x14f: {  	(v2sf) =	vpush v1, $0xB;
	[tilespmem:s8], [sflag:$0x1] =	stream.linear.gather [hbm4b:s7+s3], $0x400, $0x38;
	[tilespmem:$0x1A200] =	vst v63  }
0x150: {  	s7 =	sadd.s32 $0xF4280, s7;
	s8 =	sor.u32 $0x6200, s1  }
0x151: {  	[tilespmem:s8], [sflag:$0x1] =	stream.linear.gather [hbm4b:s7+s3], $0x400, $0x38;
	[tilespmem:$0x1A200] =	vst v63  }
0x152: {  	s8 =	spop (v2sf)  }
0x153: {  	s7 =	sand.u32 $0xFFFFF80, s8  }
0x154: {  	s8 =	sor.u32 $0x2600, s1;
	s7 =	sadd.s32 s2, s7  }
0x155: {  	(v2sf) =	vpush v1, $0xC;
	[tilespmem:s8], [sflag:$0x1] =	stream.linear.gather [hbm4b:s7+s3], $0x400, $0x38;
	[tilespmem:$0x1A200] =	vst v63  }
0x156: {  	s7 =	sadd.s32 $0xF4280, s7;
	s8 =	sor.u32 $0x6600, s1  }
0x157: {  	[tilespmem:s8], [sflag:$0x1] =	stream.linear.gather [hbm4b:s7+s3], $0x400, $0x38;
	[tilespmem:$0x1A200] =	vst v63  }
0x158: {  	s8 =	spop (v2sf)  }
0x159: {  	s7 =	sand.u32 $0xFFFFF80, s8  }
0x15a: {  	s8 =	sor.u32 $0x2A00, s1;
	s7 =	sadd.s32 s2, s7  }
0x15b: {  	(v2sf) =	vpush v1, $0xD;
	[tilespmem:s8], [sflag:$0x1] =	stream.linear.gather [hbm4b:s7+s3], $0x400, $0x38;
	[tilespmem:$0x1A200] =	vst v63  }
0x15c: {  	s7 =	sadd.s32 $0xF4280, s7;
	s8 =	sor.u32 $0x6A00, s1  }
0x15d: {  	[tilespmem:s8], [sflag:$0x1] =	stream.linear.gather [hbm4b:s7+s3], $0x400, $0x38;
	[tilespmem:$0x1A200] =	vst v63  }
0x15e: {  	s8 =	spop (v2sf)  }
0x15f: {  	s7 =	sand.u32 $0xFFFFF80, s8  }
0x160: {  	s8 =	sor.u32 $0x2E00, s1;
	s7 =	sadd.s32 s2, s7  }
0x161: {  	(v2sf) =	vpush v1, $0xE;
	[tilespmem:s8], [sflag:$0x1] =	stream.linear.gather [hbm4b:s7+s3], $0x400, $0x38;
	[tilespmem:$0x1A200] =	vst v63  }
0x162: {  	s7 =	sadd.s32 $0xF4280, s7;
	s8 =	sor.u32 $0x6E00, s1  }
0x163: {  	[tilespmem:s8], [sflag:$0x1] =	stream.linear.gather [hbm4b:s7+s3], $0x400, $0x38;
	[tilespmem:$0x1A200] =	vst v63  }
0x164: {  	s8 =	spop (v2sf)  }
0x165: {  	s7 =	sand.u32 $0xFFFFF80, s8  }
0x166: {  	s8 =	sor.u32 $0x3200, s1;
	s7 =	sadd.s32 s2, s7  }
0x167: {  	(v2sf) =	vpush v1, $0xF;
	[tilespmem:s8], [sflag:$0x1] =	stream.linear.gather [hbm4b:s7+s3], $0x400, $0x38;
	[tilespmem:$0x1A200] =	vst v63  }
0x168: {  	s7 =	sadd.s32 $0xF4280, s7;
	s8 =	sor.u32 $0x7200, s1  }
0x169: {  	[tilespmem:s8], [sflag:$0x1] =	stream.linear.gather [hbm4b:s7+s3], $0x400, $0x38;
	[tilespmem:$0x1A200] =	vst v63  }
0x16a: {  	s8 =	spop (v2sf)  }
0x16b: {  	s7 =	sand.u32 $0xFFFFF80, s8  }
0x16c: {  	s8 =	sor.u32 $0x3600, s1;
	s7 =	sadd.s32 s2, s7  }
0x16d: {  	[tilespmem:s8], [sflag:$0x1] =	stream.linear.gather [hbm4b:s7+s3], $0x400, $0x38;
	[tilespmem:$0x1A200] =	vst v63  }
0x16e: {  	s7 =	sadd.s32 $0xF4280, s7;
	s8 =	sor.u32 $0x7600, s1  }
0x16f: {  	[tilespmem:s8], [sflag:$0x1] =	stream.linear.gather [hbm4b:s7+s3], $0x400, $0x38;
	[tilespmem:$0x1A200] =	vst v63  }
0x170: {  	s8 =	spop (v2sf)  }
0x171: {  	s7 =	sand.u32 $0xFFFFF80, s8  }
0x172: {  	s8 =	sor.u32 $0x3A00, s1;
	s7 =	sadd.s32 s2, s7  }
0x173: {  	[tilespmem:s8], [sflag:$0x1] =	stream.linear.gather [hbm4b:s7+s3], $0x400, $0x38;
	[tilespmem:$0x1A200] =	vst v63  }
0x174: {  	s7 =	sadd.s32 $0xF4280, s7;
	s8 =	sor.u32 $0x7A00, s1  }
0x175: {  	[tilespmem:s8], [sflag:$0x1] =	stream.linear.gather [hbm4b:s7+s3], $0x400, $0x38;
	[tilespmem:$0x1A200] =	vst v63  }
0x176: {  	s8 =	spop (v2sf)  }
.Ltmp5:
0x177: {  	s7 =	sand.u32 $0xFFFFF80, s8;
	(pc) =	sbr.rel .LBB2_4-.Ltmp5, $4  }
0x178: {  	s8 =	sor.u32 $0x3E00, s1;
	s7 =	sadd.s32 s2, s7  }
0x179: {  	[tilespmem:s8], [sflag:$0x1] =	stream.linear.gather [hbm4b:s7+s3], $0x400, $0x38;
	[tilespmem:$0x1A200] =	vst v63  }
0x17a: {  	s1 =	sor.u32 $0x7E00, s1;
	s7 =	sadd.s32 $0xF4280, s7  }
0x17b: {  	[tilespmem:s1], [sflag:$0x1] =	stream.linear.gather [hbm4b:s7+s3], $0x400, $0x38;
	[tilespmem:$0x1A200] =	vst v63  }
.LBB2_6:
0x17c: {  	_ =	sfence.sel $0x180000  }
0x17d: {  	[bflag:$0x0] =	sbarrier.arrive $0xFFFF  }
0x17e: {  	_ =	strace $0x90000047  }
0x17f: {  	s0 =	stileid.u32;
	[bflag:$0x2] =	sbarrier.arrive $0xFFFF  }
0x180: {  	p0 =	sne.s32 s0, $0x0;
	s0 =	rddreg [dreg:$0x3]  }
0x181: {  	s0 =	sadd.s32 @!p0 $0x100000, s0  }
0x182: {  	[sflag:s0] =	ssyncadd.tile.s32 @!p0 $0x1;
	_ =	shalt  }
.Lfunc_end2:
_tile_overlayer_lowered:
.L_overlay_start_2:
0x183: {  	(tag) =	ssettag $0x2  }
0x184: {  	s0 =	rddreg [dreg:$0x0];
	s2 =	stileid.u32  }
0x185: {  	s1 =	rddreg [dreg:$0x1];
	p0 =	sne.s32 s2, $0x0  }
0x186: {  	s3 =	rddreg [dreg:$0x2];
	[bflag:$0x3] =	sbarrier.arrive $0xFFFF;
	s2 =	simm.s32 @!p0 $0x1C02  }
0x187: {  	[timem:s3], [sflag:s2] =	dma.local @!p0 [hbm:s0], s1  }
0x188: {  	s0 =	simm.s32 @!p0 $0x2  }
0x189: {  	_ =	swait.ge @!p0 [sflag:s0], s1  }
0x18a: {  	s1 =	ssub.s32 @!p0 $0x0, s1;
	[sflag:s0] =	ssyncset.done @!p0 $0x0  }
0x18b: {  	[sflag:s0] =	ssyncadd.s32 @!p0 s1  }
0x18c: {  	[bflag:$0x3] =	sbarrier.arrive $0xFFFF  }
0x18d: {  	_ =	shalt  }

</sc_bundles>
